<compile_context>
chip_gen: v7x
topology: tpu7x:2x2x1
jax: 0.10.2.dev20260603
libtpu: 0.0.44.dev20260713+nightly
codegen_flags: <defaults>
</compile_context>

<pallas_src>
import functools

import jax
import jax.numpy as jnp
from jax import lax
from jax.experimental import pallas as pl
from jax.experimental.pallas import tpu as pltpu
from jax.experimental.pallas import tpu_sc as plsc

N = 10000
E = 320000
E_SUB = 100000
EMB = 128
H1 = 256
H2 = 256

NC = 2
NS = 16
G = 128

NP = 10240
ROWS_PER_TILE = NP // NS
TRASH = N

D2 = 128
DEG_BASE = 10112
C1 = 160
E1_PAD = NC * NS * C1 * G
C2 = 160
E2_PAD = NS * C2 * G

CH = 32
EPT = CH * G
ES_PAD = NC * NS * EPT

_mesh = plsc.VectorSubcoreMesh(core_axis_name="c", subcore_axis_name="s")


@functools.partial(
    pl.kernel,
    mesh=_mesh,
    out_type=jax.ShapeDtypeStruct((NC, NP, D2), jnp.float32),
    scratch_types=[
        pltpu.VMEM((16, G), jnp.int32),
        pltpu.VMEM((16, G), jnp.int32),
        pltpu.VMEM((G, D2), jnp.float32),
        pltpu.VMEM_SHARED((NP, D2), jnp.float32),
        pltpu.SemaphoreType.DMA,
    ],
)
def _seg1(table, src2d, dst2d, z, out, srcbuf, dstbuf, rows, acc, sem):
    c = lax.axis_index("c")
    s = lax.axis_index("s")
    wid = c * NS + s
    pltpu.sync_copy(z, acc.at[pl.ds(s * ROWS_PER_TILE, ROWS_PER_TILE)])
    plsc.subcore_barrier()

    def group(g, carry):
        pltpu.sync_copy(src2d.at[pl.ds(wid * C1 + g * 16, 16)], srcbuf)
        pltpu.sync_copy(dst2d.at[pl.ds(wid * C1 + g * 16, 16)], dstbuf)

        def chunk(j, carry2):
            pltpu.async_copy(table.at[srcbuf.at[j]], rows, sem).wait()
            pltpu.sync_copy(rows, acc.at[dstbuf.at[j]], add=True)
            return carry2

        return lax.fori_loop(0, 16, chunk, carry)

    lax.fori_loop(0, C1 // 16, group, 0)
    plsc.subcore_barrier()
    pltpu.sync_copy(
        acc.at[pl.ds(s * ROWS_PER_TILE, ROWS_PER_TILE)],
        out.at[c, pl.ds(s * ROWS_PER_TILE, ROWS_PER_TILE)],
    )


@functools.partial(
    pl.kernel,
    mesh=_mesh,
    out_type=jax.ShapeDtypeStruct((NC, NP, D2), jnp.float32),
    scratch_types=[
        pltpu.VMEM((16, G), jnp.int32),
        pltpu.VMEM((16, G), jnp.int32),
        pltpu.VMEM((G, D2), jnp.float32),
        pltpu.VMEM_SHARED((NP, D2), jnp.float32),
        pltpu.SemaphoreType.DMA,
    ],
)
def _seg2(table, src3d, dst2d, z, out, srcbuf, dstbuf, rows, acc, sem):
    c = lax.axis_index("c")
    s = lax.axis_index("s")
    pltpu.sync_copy(z, acc.at[pl.ds(s * ROWS_PER_TILE, ROWS_PER_TILE)])
    plsc.subcore_barrier()

    def group(g, carry):
        pltpu.sync_copy(src3d.at[c, pl.ds(s * C2 + g * 16, 16)], srcbuf)
        pltpu.sync_copy(dst2d.at[pl.ds(s * C2 + g * 16, 16)], dstbuf)

        def chunk(j, carry2):
            pltpu.async_copy(table.at[srcbuf.at[j]], rows, sem).wait()
            pltpu.sync_copy(rows, acc.at[dstbuf.at[j]], add=True)
            return carry2

        return lax.fori_loop(0, 16, chunk, carry)

    lax.fori_loop(0, C2 // 16, group, 0)
    plsc.subcore_barrier()
    pltpu.sync_copy(
        acc.at[pl.ds(s * ROWS_PER_TILE, ROWS_PER_TILE)],
        out.at[c, pl.ds(s * ROWS_PER_TILE, ROWS_PER_TILE)],
    )


@functools.partial(
    pl.kernel,
    mesh=_mesh,
    out_type=jax.ShapeDtypeStruct((ES_PAD, 16), jnp.float32),
    scratch_types=[
        pltpu.VMEM((CH, G), jnp.int32),
        pltpu.VMEM((CH, G), jnp.int32),
        pltpu.VMEM((G, 128), jnp.float32),
        pltpu.VMEM((G, 128), jnp.float32),
        pltpu.VMEM((G, 16), jnp.float32),
        pltpu.SemaphoreType.DMA,
        pltpu.SemaphoreType.DMA,
    ],
)
def _edge_head(a128, b128, sidx2d, didx2d, out,
               sbuf, dbuf, bufa, bufb, outbuf, sema, semb):
    c = lax.axis_index("c")
    s = lax.axis_index("s")
    wid = c * NS + s
    pltpu.sync_copy(sidx2d.at[pl.ds(wid * CH, CH)], sbuf)
    pltpu.sync_copy(didx2d.at[pl.ds(wid * CH, CH)], dbuf)

    def chunk(j, carry):
        ca = pltpu.async_copy(a128.at[sbuf.at[j]], bufa, sema)
        cb = pltpu.async_copy(b128.at[dbuf.at[j]], bufb, semb)
        ca.wait()
        cb.wait()

        def row(r, carry2):
            v = bufa[r, pl.ds(0, 16)] + bufb[r, pl.ds(0, 16)]
            outbuf[r, :] = 1.0 / (1.0 + jnp.exp(-v))
            return carry2

        lax.fori_loop(0, G, row, carry)
        pltpu.sync_copy(outbuf, out.at[pl.ds(wid * EPT + j * G, G)])
        return carry

    lax.fori_loop(0, CH, chunk, 0)


def _tc1_body(emb_ref, p_ref, degp_ref, ws_ref, wn_ref, b_ref,
              h1_ref, deg_ref):
    deg = jnp.maximum(degp_ref[0] + degp_ref[1], 1.0)
    msg = (p_ref[0] + p_ref[1]) / deg
    h = emb_ref[...]
    h1 = jnp.maximum(
        jnp.dot(h, ws_ref[...], preferred_element_type=jnp.float32)
        + jnp.dot(msg, wn_ref[...], preferred_element_type=jnp.float32)
        + b_ref[...],
        0.0,
    )
    h1_ref[0] = h1[:, :128]
    h1_ref[1] = h1[:, 128:]
    deg_ref[...] = deg


def _tc2_body(h1_ref, p_ref, deg_ref, ws_ref, wn_ref, b_ref, wa_ref,
              wb_ref, ba_ref, a_ref, b_ref2):
    h1 = jnp.concatenate([h1_ref[0], h1_ref[1]], axis=1)
    msg = jnp.concatenate([p_ref[0], p_ref[1]], axis=1) / deg_ref[...]
    h2 = jnp.maximum(
        jnp.dot(h1, ws_ref[...], preferred_element_type=jnp.float32)
        + jnp.dot(msg, wn_ref[...], preferred_element_type=jnp.float32)
        + b_ref[...],
        0.0,
    )
    a_ref[...] = (
        jnp.dot(h2, wa_ref[...], preferred_element_type=jnp.float32)
        + ba_ref[...]
    )
    b_ref2[...] = jnp.dot(h2, wb_ref[...], preferred_element_type=jnp.float32)


_RB = 80


def _tc1(emb, p1, degp, ws1, wn1, b1):
    return pl.pallas_call(
        _tc1_body,
        grid=(N // _RB,),
        in_specs=[
            pl.BlockSpec((_RB, EMB), lambda i: (i, 0)),
            pl.BlockSpec((NC, _RB, D2), lambda i: (0, i, 0)),
            pl.BlockSpec((NC, _RB, 1), lambda i: (0, i, 0)),
            pl.BlockSpec((EMB, H1), lambda i: (0, 0)),
            pl.BlockSpec((EMB, H1), lambda i: (0, 0)),
            pl.BlockSpec((1, H1), lambda i: (0, 0)),
        ],
        out_specs=[
            pl.BlockSpec((NC, _RB, 128), lambda i: (0, i, 0)),
            pl.BlockSpec((_RB, 1), lambda i: (i, 0)),
        ],
        out_shape=[
            jax.ShapeDtypeStruct((NC, N, 128), jnp.float32),
            jax.ShapeDtypeStruct((N, 1), jnp.float32),
        ],
    )(emb, p1, degp, ws1, wn1, b1)


def _tc2(h1s, p2, deg, ws2, wn2, b2, wa, wb, ba):
    return pl.pallas_call(
        _tc2_body,
        grid=(N // _RB,),
        in_specs=[
            pl.BlockSpec((NC, _RB, 128), lambda i: (0, i, 0)),
            pl.BlockSpec((NC, _RB, D2), lambda i: (0, i, 0)),
            pl.BlockSpec((_RB, 1), lambda i: (i, 0)),
            pl.BlockSpec((H1, H2), lambda i: (0, 0)),
            pl.BlockSpec((H1, H2), lambda i: (0, 0)),
            pl.BlockSpec((1, H2), lambda i: (0, 0)),
            pl.BlockSpec((H2, 128), lambda i: (0, 0)),
            pl.BlockSpec((H2, 128), lambda i: (0, 0)),
            pl.BlockSpec((1, 128), lambda i: (0, 0)),
        ],
        out_specs=[
            pl.BlockSpec((_RB, 128), lambda i: (i, 0)),
            pl.BlockSpec((_RB, 128), lambda i: (i, 0)),
        ],
        out_shape=[
            jax.ShapeDtypeStruct((N, 128), jnp.float32),
            jax.ShapeDtypeStruct((N, 128), jnp.float32),
        ],
    )(h1s, p2, deg, ws2, wn2, b2, wa, wb, ba)


def kernel(nodes, edge_index, sub_edge_index, emb_table, W_self1, W_neigh1,
           b1, W_self2, W_neigh2, b2, W_out, b_out):
    src = edge_index[0]
    dst = edge_index[1]
    h = emb_table

    z = jnp.zeros((ROWS_PER_TILE, D2), jnp.float32)

    table1 = jnp.concatenate(
        [h, jnp.eye(128, dtype=jnp.float32)], axis=0)
    pad1 = E1_PAD - 2 * E
    gidx = jnp.concatenate(
        [src, N + (dst & 127), jnp.zeros((pad1,), jnp.int32)]).reshape(-1, G)
    sidx = jnp.concatenate(
        [dst, DEG_BASE + (dst >> 7),
         jnp.full((pad1,), TRASH, jnp.int32)]).reshape(-1, G)
    p1 = _seg1(table1, gidx, sidx, z)

    degp = p1[:, DEG_BASE:DEG_BASE + 128, :].reshape(NC, 16384, 1)[:, :N]

    h1s, deg = _tc1(h, p1, degp, W_self1, W_neigh1, b1.reshape(1, H1))

    table2 = h1s.reshape(NC * N, 128)
    pad2 = E2_PAD - E
    src2 = jnp.concatenate([src, jnp.zeros((pad2,), jnp.int32)])
    src2 = jnp.stack([src2, src2 + N]).reshape(NC, -1, G)
    dst2 = jnp.concatenate([dst, jnp.full((pad2,), TRASH, jnp.int32)]).reshape(-1, G)
    p2 = _seg2(table2, src2, dst2, z)

    zc = jnp.zeros((H2, 126), jnp.float32)
    wa = jnp.concatenate([W_out[:H2], zc], axis=1)
    wb = jnp.concatenate([W_out[H2:], zc], axis=1)
    ba = jnp.concatenate([b_out, jnp.zeros((126,), jnp.float32)]).reshape(1, 128)
    a128, b128 = _tc2(h1s, p2, deg, W_self2, W_neigh2, b2.reshape(1, H2),
                      wa, wb, ba)

    pad3 = ES_PAD - E_SUB
    ssub = jnp.concatenate(
        [sub_edge_index[0], jnp.zeros((pad3,), jnp.int32)]).reshape(-1, G)
    dsub = jnp.concatenate(
        [sub_edge_index[1], jnp.zeros((pad3,), jnp.int32)]).reshape(-1, G)
    o = _edge_head(a128, b128, ssub, dsub)
    return o[:E_SUB, :2]

# --- scband reference (transcript-rebuilt; emitter-appended) ---
"""Pipeline reference for scband-graph-sage-model-41008347742355 (READ-ONLY COPY).

The authoritative reference and input builder live on the scoring server;
editing this copy changes nothing except your own understanding.
"""

import jax, jax.numpy as jnp
import numpy as np

N = 10000
E = 320000
E_SUB = 100000
EMB = 128
H1 = 256
H2 = 256
OUT = 2


def setup_inputs(seed: int = 0) -> dict:
    key = jax.random.key(seed)
    ks = jax.random.split(key, 16)
    nodes = jnp.arange(N, dtype=jnp.int32)
    edge_index = jax.random.randint(ks[0], (2, E), 0, N, dtype=jnp.int32)
    sub_edge_index = jax.random.randint(ks[1], (2, E_SUB), 0, N, dtype=jnp.int32)
    emb_table = jax.random.normal(ks[2], (N, EMB), dtype=jnp.float32) * 0.05
    W_self1 = jax.random.normal(ks[3], (EMB, H1), dtype=jnp.float32) / np.sqrt(EMB)
    W_neigh1 = jax.random.normal(ks[4], (EMB, H1), dtype=jnp.float32) / np.sqrt(EMB)
    b1 = jnp.zeros((H1,), jnp.float32)
    W_self2 = jax.random.normal(ks[5], (H1, H2), dtype=jnp.float32) / np.sqrt(H1)
    W_neigh2 = jax.random.normal(ks[6], (H1, H2), dtype=jnp.float32) / np.sqrt(H1)
    b2 = jnp.zeros((H2,), jnp.float32)
    W_out = jax.random.normal(ks[7], (2 * H2, OUT), dtype=jnp.float32) / np.sqrt(2 * H2)
    b_out = jnp.zeros((OUT,), jnp.float32)
    return {
        "nodes": nodes,
        "edge_index": edge_index,
        "sub_edge_index": sub_edge_index,
        "emb_table": emb_table,
        "W_self1": W_self1,
        "W_neigh1": W_neigh1,
        "b1": b1,
        "W_self2": W_self2,
        "W_neigh2": W_neigh2,
        "b2": b2,
        "W_out": W_out,
        "b_out": b_out,
    }


def reference(nodes, edge_index, sub_edge_index, emb_table, W_self1, W_neigh1, b1, W_self2, W_neigh2, b2, W_out, b_out):
    src = edge_index[0]
    dst = edge_index[1]
    ones = jnp.ones((E,), jnp.float32)
    deg = jnp.clip(jax.ops.segment_sum(ones, dst, num_segments=N), 1.0, None)
    # NodeEmbedding lookup
    h = jnp.take(emb_table, nodes, axis=0)
    # SAGEConv layer 1 (mean aggregator): fc_self(h_dst) + fc_neigh(mean_{src->dst} h_src)
    msg = jax.ops.segment_sum(jnp.take(h, src, axis=0), dst, num_segments=N) / deg[:, None]
    h = jax.nn.relu(h @ W_self1 + msg @ W_neigh1 + b1)
    # SAGEConv layer 2
    msg = jax.ops.segment_sum(jnp.take(h, src, axis=0), dst, num_segments=N) / deg[:, None]
    h = jax.nn.relu(h @ W_self2 + msg @ W_neigh2 + b2)
    # EdgeClassifyHead: concat(h[u], h[v]) -> Linear -> sigmoid
    eh = jnp.concatenate([jnp.take(h, sub_edge_index[0], axis=0), jnp.take(h, sub_edge_index[1], axis=0)], axis=1)
    logits = eh @ W_out + b_out
    return jax.nn.sigmoid(logits)

if __name__ == "__main__":
    import jax
    _d = setup_inputs()
    print(jax.jit(kernel)(*tuple(_d.values())))

</pallas_src>

<mosaic_0001>
#map = affine_map<(d0, d1) -> (0, 0)>
#map1 = affine_map<(d0, d1) -> (0, 0, 0)>
module attributes {stable_mosaic.version = 14 : i64} {
  func.func @_seg2(%arg0: i32, %arg1: i32, %arg2: memref<20000x128xf32, #tpu.memory_space<hbm>>, %arg3: memref<2x2560x128xi32, #tpu.memory_space<hbm>>, %arg4: memref<2560x128xi32, #tpu.memory_space<hbm>>, %arg5: memref<640x128xf32, #tpu.memory_space<hbm>>, %arg6: memref<2x10240x128xf32, #tpu.memory_space<hbm>>, %arg7: memref<16x128xi32, #tpu.memory_space<vmem>>, %arg8: memref<16x128xi32, #tpu.memory_space<vmem>>, %arg9: memref<128x128xf32, #tpu.memory_space<vmem>>, %arg10: memref<10240x128xf32, #tpu.memory_space<vmem_shared>>, %arg11: memref<!tpu.dma_semaphore, #tpu.memory_space<semaphore_mem>>) attributes {dimension_semantics = [#tpu.dimension_semantics<core_parallel>, #tpu.dimension_semantics<subcore_parallel>], iteration_bounds = array<i64: 2, 16>, scalar_prefetch = 0 : i64, scratch_operands = 5 : i64, tpu.core_type = #tpu.core_type<sc_vector_subcore>, window_params = [{transform_indices = #map}, {transform_indices = #map1}, {transform_indices = #map}, {transform_indices = #map}, {transform_indices = #map1}]} {
    %mul3A = arith.constant 640 : i32
    %mul3A_0 = arith.muli %arg1, %mul3A : i32
    "tpu.region"() ({
      %run_scoped3A = tpu.sem_alloc : memref<!tpu.dma_semaphore, #tpu.memory_space<semaphore_mem>>
      %dma_start3A = arith.constant 0 : i32
      %dma_start3A_11 = tpu.memref_slice %arg10[%mul3A_0, %dma_start3A] : memref<10240x128xf32, #tpu.memory_space<vmem_shared>> -> memref<640x128xf32, #tpu.memory_space<vmem_shared>>
      tpu.enqueue_dma source(%arg5 : memref<640x128xf32, #tpu.memory_space<hbm>>) target(%dma_start3A_11 : memref<640x128xf32, #tpu.memory_space<vmem_shared>>) target_semaphore(%run_scoped3A : memref<!tpu.dma_semaphore, #tpu.memory_space<semaphore_mem>>)
      %dma_wait3A = arith.constant 0 : i32
      %dma_wait3A_12 = tpu.memref_slice %arg10[%mul3A_0, %dma_wait3A] : memref<10240x128xf32, #tpu.memory_space<vmem_shared>> -> memref<640x128xf32, #tpu.memory_space<vmem_shared>>
      tpu.wait_dma2 semaphore(%run_scoped3A : memref<!tpu.dma_semaphore, #tpu.memory_space<semaphore_mem>>) src(%arg5 : memref<640x128xf32, #tpu.memory_space<hbm>>) dst(%dma_wait3A_12 : memref<640x128xf32, #tpu.memory_space<vmem_shared>>)
      tpu.yield
    }) : () -> ()
    %barrier3A = arith.constant 0 : index
    tpu.barrier barrier_id(%barrier3A)
    %scan3A = arith.constant 0 : i32
    %scan3A_1 = arith.constant 0 : i32
    %scan3A_2 = arith.constant 10 : i32
    %scan3A_3 = arith.addi %scan3A_1, %scan3A_2 : i32
    %scan3A_4 = arith.constant 1 : i32
    scf.for %scan3A_11 = %scan3A_1 to %scan3A_3 step %scan3A_4  : i32 {
      %mul3A_12 = arith.constant 160 : i32
      %mul3A_13 = arith.muli %arg1, %mul3A_12 : i32
      %mul3A_14 = arith.constant 16 : i32
      %mul3A_15 = arith.muli %scan3A_11, %mul3A_14 : i32
      %add3A = arith.addi %mul3A_13, %mul3A_15 : i32
      "tpu.region"() ({
        %run_scoped3A = tpu.sem_alloc : memref<!tpu.dma_semaphore, #tpu.memory_space<semaphore_mem>>
        %dma_start3A = arith.constant 0 : i32
        %dma_start3A_26 = tpu.memref_slice %arg3[%arg0, %add3A, %dma_start3A] : memref<2x2560x128xi32, #tpu.memory_space<hbm>> -> memref<1x16x128xi32, #tpu.memory_space<hbm>>
        %dma_start3A_27 = tpu.memref_squeeze %dma_start3A_26 : memref<1x16x128xi32, #tpu.memory_space<hbm>> -> memref<16x128xi32, #tpu.memory_space<hbm>>
        %dma_start3A_28 = arith.constant 0 : i32
        %dma_start3A_29 = tpu.memref_slice %arg3[%arg0, %add3A, %dma_start3A_28] : memref<2x2560x128xi32, #tpu.memory_space<hbm>> -> memref<1x16x128xi32, #tpu.memory_space<hbm>>
        %dma_start3A_30 = tpu.memref_squeeze %dma_start3A_29 : memref<1x16x128xi32, #tpu.memory_space<hbm>> -> memref<16x128xi32, #tpu.memory_space<hbm>>
        tpu.enqueue_dma source(%dma_start3A_30 : memref<16x128xi32, #tpu.memory_space<hbm>>) target(%arg7 : memref<16x128xi32, #tpu.memory_space<vmem>>) target_semaphore(%run_scoped3A : memref<!tpu.dma_semaphore, #tpu.memory_space<semaphore_mem>>)
        %dma_wait3A = arith.constant 0 : i32
        %dma_wait3A_31 = tpu.memref_slice %arg3[%arg0, %add3A, %dma_wait3A] : memref<2x2560x128xi32, #tpu.memory_space<hbm>> -> memref<1x16x128xi32, #tpu.memory_space<hbm>>
        %dma_wait3A_32 = tpu.memref_squeeze %dma_wait3A_31 : memref<1x16x128xi32, #tpu.memory_space<hbm>> -> memref<16x128xi32, #tpu.memory_space<hbm>>
        %dma_wait3A_33 = arith.constant 0 : i32
        %dma_wait3A_34 = tpu.memref_slice %arg3[%arg0, %add3A, %dma_wait3A_33] : memref<2x2560x128xi32, #tpu.memory_space<hbm>> -> memref<1x16x128xi32, #tpu.memory_space<hbm>>
        %dma_wait3A_35 = tpu.memref_squeeze %dma_wait3A_34 : memref<1x16x128xi32, #tpu.memory_space<hbm>> -> memref<16x128xi32, #tpu.memory_space<hbm>>
        tpu.wait_dma2 semaphore(%run_scoped3A : memref<!tpu.dma_semaphore, #tpu.memory_space<semaphore_mem>>) src(%dma_wait3A_35 : memref<16x128xi32, #tpu.memory_space<hbm>>) dst(%arg7 : memref<16x128xi32, #tpu.memory_space<vmem>>)
        tpu.yield
      }) : () -> ()
      %mul3A_16 = arith.constant 160 : i32
      %mul3A_17 = arith.muli %arg1, %mul3A_16 : i32
      %mul3A_18 = arith.constant 16 : i32
      %mul3A_19 = arith.muli %scan3A_11, %mul3A_18 : i32
      %add3A_20 = arith.addi %mul3A_17, %mul3A_19 : i32
      "tpu.region"() ({
        %run_scoped3A = tpu.sem_alloc : memref<!tpu.dma_semaphore, #tpu.memory_space<semaphore_mem>>
        %dma_start3A = arith.constant 0 : i32
        %dma_start3A_26 = tpu.memref_slice %arg4[%add3A_20, %dma_start3A] : memref<2560x128xi32, #tpu.memory_space<hbm>> -> memref<16x128xi32, #tpu.memory_space<hbm>>
        %dma_start3A_27 = arith.constant 0 : i32
        %dma_start3A_28 = tpu.memref_slice %arg4[%add3A_20, %dma_start3A_27] : memref<2560x128xi32, #tpu.memory_space<hbm>> -> memref<16x128xi32, #tpu.memory_space<hbm>>
        tpu.enqueue_dma source(%dma_start3A_28 : memref<16x128xi32, #tpu.memory_space<hbm>>) target(%arg8 : memref<16x128xi32, #tpu.memory_space<vmem>>) target_semaphore(%run_scoped3A : memref<!tpu.dma_semaphore, #tpu.memory_space<semaphore_mem>>)
        %dma_wait3A = arith.constant 0 : i32
        %dma_wait3A_29 = tpu.memref_slice %arg4[%add3A_20, %dma_wait3A] : memref<2560x128xi32, #tpu.memory_space<hbm>> -> memref<16x128xi32, #tpu.memory_space<hbm>>
        %dma_wait3A_30 = arith.constant 0 : i32
        %dma_wait3A_31 = tpu.memref_slice %arg4[%add3A_20, %dma_wait3A_30] : memref<2560x128xi32, #tpu.memory_space<hbm>> -> memref<16x128xi32, #tpu.memory_space<hbm>>
        tpu.wait_dma2 semaphore(%run_scoped3A : memref<!tpu.dma_semaphore, #tpu.memory_space<semaphore_mem>>) src(%dma_wait3A_31 : memref<16x128xi32, #tpu.memory_space<hbm>>) dst(%arg8 : memref<16x128xi32, #tpu.memory_space<vmem>>)
        tpu.yield
      }) : () -> ()
      %scan3A_21 = arith.constant 0 : i32
      %scan3A_22 = arith.constant 16 : i32
      %scan3A_23 = arith.addi %scan3A_21, %scan3A_22 : i32
      %scan3A_24 = arith.constant 1 : i32
      scf.for %scan3A_26 = %scan3A_21 to %scan3A_23 step %scan3A_24  : i32 {
        %dma_start3A = arith.constant 0 : i32
        %dma_start3A_27 = tpu.memref_slice %arg7[%scan3A_26, %dma_start3A] : memref<16x128xi32, #tpu.memory_space<vmem>> -> memref<1x128xi32, #tpu.memory_space<vmem>>
        %dma_start3A_28 = tpu.memref_squeeze %dma_start3A_27 : memref<1x128xi32, #tpu.memory_space<vmem>> -> memref<128xi32, #tpu.memory_space<vmem>>
        %dma_start3A_29 = arith.constant 0 : i32
        %dma_start3A_30 = arith.constant 0 : i32
        %dma_start3A_31 = tpu.memref_slice %arg2[%dma_start3A_29, %dma_start3A_30] : memref<20000x128xf32, #tpu.memory_space<hbm>> -> memref<20000x128xf32, #tpu.memory_space<hbm>>
        tpu.enqueue_indirect_dma source(%dma_start3A_31 : memref<20000x128xf32, #tpu.memory_space<hbm>>) target(%arg9 : memref<128x128xf32, #tpu.memory_space<vmem>>) offsets(%dma_start3A_28 : memref<128xi32, #tpu.memory_space<vmem>>) semaphore(%arg11 : memref<!tpu.dma_semaphore, #tpu.memory_space<semaphore_mem>>)
        %dma_wait3A = arith.constant 0 : i32
        %dma_wait3A_32 = tpu.memref_slice %arg7[%scan3A_26, %dma_wait3A] : memref<16x128xi32, #tpu.memory_space<vmem>> -> memref<1x128xi32, #tpu.memory_space<vmem>>
        %dma_wait3A_33 = tpu.memref_squeeze %dma_wait3A_32 : memref<1x128xi32, #tpu.memory_space<vmem>> -> memref<128xi32, #tpu.memory_space<vmem>>
        %dma_wait3A_34 = arith.constant 0 : i32
        %dma_wait3A_35 = arith.constant 0 : i32
        %dma_wait3A_36 = tpu.memref_slice %arg2[%dma_wait3A_34, %dma_wait3A_35] : memref<20000x128xf32, #tpu.memory_space<hbm>> -> memref<20000x128xf32, #tpu.memory_space<hbm>>
        tpu.wait_indirect_dma semaphore(%arg11 : memref<!tpu.dma_semaphore, #tpu.memory_space<semaphore_mem>>) src(%dma_wait3A_36 : memref<20000x128xf32, #tpu.memory_space<hbm>>) dst(%arg9 : memref<128x128xf32, #tpu.memory_space<vmem>>)
        "tpu.region"() ({
          %run_scoped3A = tpu.sem_alloc : memref<!tpu.dma_semaphore, #tpu.memory_space<semaphore_mem>>
          %dma_start3A_37 = arith.constant 0 : i32
          %dma_start3A_38 = tpu.memref_slice %arg8[%scan3A_26, %dma_start3A_37] : memref<16x128xi32, #tpu.memory_space<vmem>> -> memref<1x128xi32, #tpu.memory_space<vmem>>
          %dma_start3A_39 = tpu.memref_squeeze %dma_start3A_38 : memref<1x128xi32, #tpu.memory_space<vmem>> -> memref<128xi32, #tpu.memory_space<vmem>>
          %dma_start3A_40 = arith.constant 0 : i32
          %dma_start3A_41 = arith.constant 0 : i32
          %dma_start3A_42 = tpu.memref_slice %arg10[%dma_start3A_40, %dma_start3A_41] : memref<10240x128xf32, #tpu.memory_space<vmem_shared>> -> memref<10240x128xf32, #tpu.memory_space<vmem_shared>>
          tpu.enqueue_indirect_dma source(%arg9 : memref<128x128xf32, #tpu.memory_space<vmem>>) target(%dma_start3A_42 : memref<10240x128xf32, #tpu.memory_space<vmem_shared>>) offsets(%dma_start3A_39 : memref<128xi32, #tpu.memory_space<vmem>>) semaphore(%run_scoped3A : memref<!tpu.dma_semaphore, #tpu.memory_space<semaphore_mem>>) {add = true}
          %dma_wait3A_43 = arith.constant 0 : i32
          %dma_wait3A_44 = tpu.memref_slice %arg8[%scan3A_26, %dma_wait3A_43] : memref<16x128xi32, #tpu.memory_space<vmem>> -> memref<1x128xi32, #tpu.memory_space<vmem>>
          %dma_wait3A_45 = tpu.memref_squeeze %dma_wait3A_44 : memref<1x128xi32, #tpu.memory_space<vmem>> -> memref<128xi32, #tpu.memory_space<vmem>>
          %dma_wait3A_46 = arith.constant 0 : i32
          %dma_wait3A_47 = arith.constant 0 : i32
          %dma_wait3A_48 = tpu.memref_slice %arg10[%dma_wait3A_46, %dma_wait3A_47] : memref<10240x128xf32, #tpu.memory_space<vmem_shared>> -> memref<10240x128xf32, #tpu.memory_space<vmem_shared>>
          tpu.wait_indirect_dma semaphore(%run_scoped3A : memref<!tpu.dma_semaphore, #tpu.memory_space<semaphore_mem>>) src(%arg9 : memref<128x128xf32, #tpu.memory_space<vmem>>) dst(%dma_wait3A_48 : memref<10240x128xf32, #tpu.memory_space<vmem_shared>>)
          tpu.yield
        }) : () -> ()
      }
      %scan3A_25 = arith.constant 16 : i32
    }
    %scan3A_5 = arith.constant 10 : i32
    %barrier3A_6 = arith.constant 0 : index
    tpu.barrier barrier_id(%barrier3A_6)
    %mul3A_7 = arith.constant 640 : i32
    %mul3A_8 = arith.muli %arg1, %mul3A_7 : i32
    %mul3A_9 = arith.constant 640 : i32
    %mul3A_10 = arith.muli %arg1, %mul3A_9 : i32
    "tpu.region"() ({
      %run_scoped3A = tpu.sem_alloc : memref<!tpu.dma_semaphore, #tpu.memory_space<semaphore_mem>>
      %dma_start3A = arith.constant 0 : i32
      %dma_start3A_11 = tpu.memref_slice %arg6[%arg0, %mul3A_10, %dma_start3A] : memref<2x10240x128xf32, #tpu.memory_space<hbm>> -> memref<1x640x128xf32, #tpu.memory_space<hbm>>
      %dma_start3A_12 = tpu.memref_squeeze %dma_start3A_11 : memref<1x640x128xf32, #tpu.memory_space<hbm>> -> memref<640x128xf32, #tpu.memory_space<hbm>>
      %dma_start3A_13 = arith.constant 0 : i32
      %dma_start3A_14 = tpu.memref_slice %arg10[%mul3A_8, %dma_start3A_13] : memref<10240x128xf32, #tpu.memory_space<vmem_shared>> -> memref<640x128xf32, #tpu.memory_space<vmem_shared>>
      tpu.enqueue_dma source(%dma_start3A_14 : memref<640x128xf32, #tpu.memory_space<vmem_shared>>) target(%dma_start3A_12 : memref<640x128xf32, #tpu.memory_space<hbm>>) target_semaphore(%run_scoped3A : memref<!tpu.dma_semaphore, #tpu.memory_space<semaphore_mem>>)
      %dma_wait3A = arith.constant 0 : i32
      %dma_wait3A_15 = tpu.memref_slice %arg6[%arg0, %mul3A_10, %dma_wait3A] : memref<2x10240x128xf32, #tpu.memory_space<hbm>> -> memref<1x640x128xf32, #tpu.memory_space<hbm>>
      %dma_wait3A_16 = tpu.memref_squeeze %dma_wait3A_15 : memref<1x640x128xf32, #tpu.memory_space<hbm>> -> memref<640x128xf32, #tpu.memory_space<hbm>>
      %dma_wait3A_17 = arith.constant 0 : i32
      %dma_wait3A_18 = tpu.memref_slice %arg10[%mul3A_8, %dma_wait3A_17] : memref<10240x128xf32, #tpu.memory_space<vmem_shared>> -> memref<640x128xf32, #tpu.memory_space<vmem_shared>>
      tpu.wait_dma2 semaphore(%run_scoped3A : memref<!tpu.dma_semaphore, #tpu.memory_space<semaphore_mem>>) src(%dma_wait3A_18 : memref<640x128xf32, #tpu.memory_space<vmem_shared>>) dst(%dma_wait3A_16 : memref<640x128xf32, #tpu.memory_space<hbm>>)
      tpu.yield
    }) : () -> ()
    return
  }
}

#map = affine_map<(d0, d1) -> (0, 0)>
#map1 = affine_map<(d0, d1) -> (0, 0, 0)>
module attributes {stable_mosaic.version = 14 : i64} {
  func.func @_seg1(%arg0: i32, %arg1: i32, %arg2: memref<10128x128xf32, #tpu.memory_space<hbm>>, %arg3: memref<5120x128xi32, #tpu.memory_space<hbm>>, %arg4: memref<5120x128xi32, #tpu.memory_space<hbm>>, %arg5: memref<640x128xf32, #tpu.memory_space<hbm>>, %arg6: memref<2x10240x128xf32, #tpu.memory_space<hbm>>, %arg7: memref<16x128xi32, #tpu.memory_space<vmem>>, %arg8: memref<16x128xi32, #tpu.memory_space<vmem>>, %arg9: memref<128x128xf32, #tpu.memory_space<vmem>>, %arg10: memref<10240x128xf32, #tpu.memory_space<vmem_shared>>, %arg11: memref<!tpu.dma_semaphore, #tpu.memory_space<semaphore_mem>>) attributes {dimension_semantics = [#tpu.dimension_semantics<core_parallel>, #tpu.dimension_semantics<subcore_parallel>], iteration_bounds = array<i64: 2, 16>, scalar_prefetch = 0 : i64, scratch_operands = 5 : i64, tpu.core_type = #tpu.core_type<sc_vector_subcore>, window_params = [{transform_indices = #map}, {transform_indices = #map}, {transform_indices = #map}, {transform_indices = #map}, {transform_indices = #map1}]} {
    %mul3A = arith.constant 16 : i32
    %mul3A_0 = arith.muli %arg0, %mul3A : i32
    %add3A = arith.addi %mul3A_0, %arg1 : i32
    %mul3A_1 = arith.constant 640 : i32
    %mul3A_2 = arith.muli %arg1, %mul3A_1 : i32
    "tpu.region"() ({
      %run_scoped3A = tpu.sem_alloc : memref<!tpu.dma_semaphore, #tpu.memory_space<semaphore_mem>>
      %dma_start3A = arith.constant 0 : i32
      %dma_start3A_13 = tpu.memref_slice %arg10[%mul3A_2, %dma_start3A] : memref<10240x128xf32, #tpu.memory_space<vmem_shared>> -> memref<640x128xf32, #tpu.memory_space<vmem_shared>>
      tpu.enqueue_dma source(%arg5 : memref<640x128xf32, #tpu.memory_space<hbm>>) target(%dma_start3A_13 : memref<640x128xf32, #tpu.memory_space<vmem_shared>>) target_semaphore(%run_scoped3A : memref<!tpu.dma_semaphore, #tpu.memory_space<semaphore_mem>>)
      %dma_wait3A = arith.constant 0 : i32
      %dma_wait3A_14 = tpu.memref_slice %arg10[%mul3A_2, %dma_wait3A] : memref<10240x128xf32, #tpu.memory_space<vmem_shared>> -> memref<640x128xf32, #tpu.memory_space<vmem_shared>>
      tpu.wait_dma2 semaphore(%run_scoped3A : memref<!tpu.dma_semaphore, #tpu.memory_space<semaphore_mem>>) src(%arg5 : memref<640x128xf32, #tpu.memory_space<hbm>>) dst(%dma_wait3A_14 : memref<640x128xf32, #tpu.memory_space<vmem_shared>>)
      tpu.yield
    }) : () -> ()
    %barrier3A = arith.constant 0 : index
    tpu.barrier barrier_id(%barrier3A)
    %scan3A = arith.constant 0 : i32
    %scan3A_3 = arith.constant 0 : i32
    %scan3A_4 = arith.constant 10 : i32
    %scan3A_5 = arith.addi %scan3A_3, %scan3A_4 : i32
    %scan3A_6 = arith.constant 1 : i32
    scf.for %scan3A_13 = %scan3A_3 to %scan3A_5 step %scan3A_6  : i32 {
      %mul3A_14 = arith.constant 160 : i32
      %mul3A_15 = arith.muli %add3A, %mul3A_14 : i32
      %mul3A_16 = arith.constant 16 : i32
      %mul3A_17 = arith.muli %scan3A_13, %mul3A_16 : i32
      %add3A_18 = arith.addi %mul3A_15, %mul3A_17 : i32
      "tpu.region"() ({
        %run_scoped3A = tpu.sem_alloc : memref<!tpu.dma_semaphore, #tpu.memory_space<semaphore_mem>>
        %dma_start3A = arith.constant 0 : i32
        %dma_start3A_29 = tpu.memref_slice %arg3[%add3A_18, %dma_start3A] : memref<5120x128xi32, #tpu.memory_space<hbm>> -> memref<16x128xi32, #tpu.memory_space<hbm>>
        %dma_start3A_30 = arith.constant 0 : i32
        %dma_start3A_31 = tpu.memref_slice %arg3[%add3A_18, %dma_start3A_30] : memref<5120x128xi32, #tpu.memory_space<hbm>> -> memref<16x128xi32, #tpu.memory_space<hbm>>
        tpu.enqueue_dma source(%dma_start3A_31 : memref<16x128xi32, #tpu.memory_space<hbm>>) target(%arg7 : memref<16x128xi32, #tpu.memory_space<vmem>>) target_semaphore(%run_scoped3A : memref<!tpu.dma_semaphore, #tpu.memory_space<semaphore_mem>>)
        %dma_wait3A = arith.constant 0 : i32
        %dma_wait3A_32 = tpu.memref_slice %arg3[%add3A_18, %dma_wait3A] : memref<5120x128xi32, #tpu.memory_space<hbm>> -> memref<16x128xi32, #tpu.memory_space<hbm>>
        %dma_wait3A_33 = arith.constant 0 : i32
        %dma_wait3A_34 = tpu.memref_slice %arg3[%add3A_18, %dma_wait3A_33] : memref<5120x128xi32, #tpu.memory_space<hbm>> -> memref<16x128xi32, #tpu.memory_space<hbm>>
        tpu.wait_dma2 semaphore(%run_scoped3A : memref<!tpu.dma_semaphore, #tpu.memory_space<semaphore_mem>>) src(%dma_wait3A_34 : memref<16x128xi32, #tpu.memory_space<hbm>>) dst(%arg7 : memref<16x128xi32, #tpu.memory_space<vmem>>)
        tpu.yield
      }) : () -> ()
      %mul3A_19 = arith.constant 160 : i32
      %mul3A_20 = arith.muli %add3A, %mul3A_19 : i32
      %mul3A_21 = arith.constant 16 : i32
      %mul3A_22 = arith.muli %scan3A_13, %mul3A_21 : i32
      %add3A_23 = arith.addi %mul3A_20, %mul3A_22 : i32
      "tpu.region"() ({
        %run_scoped3A = tpu.sem_alloc : memref<!tpu.dma_semaphore, #tpu.memory_space<semaphore_mem>>
        %dma_start3A = arith.constant 0 : i32
        %dma_start3A_29 = tpu.memref_slice %arg4[%add3A_23, %dma_start3A] : memref<5120x128xi32, #tpu.memory_space<hbm>> -> memref<16x128xi32, #tpu.memory_space<hbm>>
        %dma_start3A_30 = arith.constant 0 : i32
        %dma_start3A_31 = tpu.memref_slice %arg4[%add3A_23, %dma_start3A_30] : memref<5120x128xi32, #tpu.memory_space<hbm>> -> memref<16x128xi32, #tpu.memory_space<hbm>>
        tpu.enqueue_dma source(%dma_start3A_31 : memref<16x128xi32, #tpu.memory_space<hbm>>) target(%arg8 : memref<16x128xi32, #tpu.memory_space<vmem>>) target_semaphore(%run_scoped3A : memref<!tpu.dma_semaphore, #tpu.memory_space<semaphore_mem>>)
        %dma_wait3A = arith.constant 0 : i32
        %dma_wait3A_32 = tpu.memref_slice %arg4[%add3A_23, %dma_wait3A] : memref<5120x128xi32, #tpu.memory_space<hbm>> -> memref<16x128xi32, #tpu.memory_space<hbm>>
        %dma_wait3A_33 = arith.constant 0 : i32
        %dma_wait3A_34 = tpu.memref_slice %arg4[%add3A_23, %dma_wait3A_33] : memref<5120x128xi32, #tpu.memory_space<hbm>> -> memref<16x128xi32, #tpu.memory_space<hbm>>
        tpu.wait_dma2 semaphore(%run_scoped3A : memref<!tpu.dma_semaphore, #tpu.memory_space<semaphore_mem>>) src(%dma_wait3A_34 : memref<16x128xi32, #tpu.memory_space<hbm>>) dst(%arg8 : memref<16x128xi32, #tpu.memory_space<vmem>>)
        tpu.yield
      }) : () -> ()
      %scan3A_24 = arith.constant 0 : i32
      %scan3A_25 = arith.constant 16 : i32
      %scan3A_26 = arith.addi %scan3A_24, %scan3A_25 : i32
      %scan3A_27 = arith.constant 1 : i32
      scf.for %scan3A_29 = %scan3A_24 to %scan3A_26 step %scan3A_27  : i32 {
        %dma_start3A = arith.constant 0 : i32
        %dma_start3A_30 = tpu.memref_slice %arg7[%scan3A_29, %dma_start3A] : memref<16x128xi32, #tpu.memory_space<vmem>> -> memref<1x128xi32, #tpu.memory_space<vmem>>
        %dma_start3A_31 = tpu.memref_squeeze %dma_start3A_30 : memref<1x128xi32, #tpu.memory_space<vmem>> -> memref<128xi32, #tpu.memory_space<vmem>>
        %dma_start3A_32 = arith.constant 0 : i32
        %dma_start3A_33 = arith.constant 0 : i32
        %dma_start3A_34 = tpu.memref_slice %arg2[%dma_start3A_32, %dma_start3A_33] : memref<10128x128xf32, #tpu.memory_space<hbm>> -> memref<10128x128xf32, #tpu.memory_space<hbm>>
        tpu.enqueue_indirect_dma source(%dma_start3A_34 : memref<10128x128xf32, #tpu.memory_space<hbm>>) target(%arg9 : memref<128x128xf32, #tpu.memory_space<vmem>>) offsets(%dma_start3A_31 : memref<128xi32, #tpu.memory_space<vmem>>) semaphore(%arg11 : memref<!tpu.dma_semaphore, #tpu.memory_space<semaphore_mem>>)
        %dma_wait3A = arith.constant 0 : i32
        %dma_wait3A_35 = tpu.memref_slice %arg7[%scan3A_29, %dma_wait3A] : memref<16x128xi32, #tpu.memory_space<vmem>> -> memref<1x128xi32, #tpu.memory_space<vmem>>
        %dma_wait3A_36 = tpu.memref_squeeze %dma_wait3A_35 : memref<1x128xi32, #tpu.memory_space<vmem>> -> memref<128xi32, #tpu.memory_space<vmem>>
        %dma_wait3A_37 = arith.constant 0 : i32
        %dma_wait3A_38 = arith.constant 0 : i32
        %dma_wait3A_39 = tpu.memref_slice %arg2[%dma_wait3A_37, %dma_wait3A_38] : memref<10128x128xf32, #tpu.memory_space<hbm>> -> memref<10128x128xf32, #tpu.memory_space<hbm>>
        tpu.wait_indirect_dma semaphore(%arg11 : memref<!tpu.dma_semaphore, #tpu.memory_space<semaphore_mem>>) src(%dma_wait3A_39 : memref<10128x128xf32, #tpu.memory_space<hbm>>) dst(%arg9 : memref<128x128xf32, #tpu.memory_space<vmem>>)
        "tpu.region"() ({
          %run_scoped3A = tpu.sem_alloc : memref<!tpu.dma_semaphore, #tpu.memory_space<semaphore_mem>>
          %dma_start3A_40 = arith.constant 0 : i32
          %dma_start3A_41 = tpu.memref_slice %arg8[%scan3A_29, %dma_start3A_40] : memref<16x128xi32, #tpu.memory_space<vmem>> -> memref<1x128xi32, #tpu.memory_space<vmem>>
          %dma_start3A_42 = tpu.memref_squeeze %dma_start3A_41 : memref<1x128xi32, #tpu.memory_space<vmem>> -> memref<128xi32, #tpu.memory_space<vmem>>
          %dma_start3A_43 = arith.constant 0 : i32
          %dma_start3A_44 = arith.constant 0 : i32
          %dma_start3A_45 = tpu.memref_slice %arg10[%dma_start3A_43, %dma_start3A_44] : memref<10240x128xf32, #tpu.memory_space<vmem_shared>> -> memref<10240x128xf32, #tpu.memory_space<vmem_shared>>
          tpu.enqueue_indirect_dma source(%arg9 : memref<128x128xf32, #tpu.memory_space<vmem>>) target(%dma_start3A_45 : memref<10240x128xf32, #tpu.memory_space<vmem_shared>>) offsets(%dma_start3A_42 : memref<128xi32, #tpu.memory_space<vmem>>) semaphore(%run_scoped3A : memref<!tpu.dma_semaphore, #tpu.memory_space<semaphore_mem>>) {add = true}
          %dma_wait3A_46 = arith.constant 0 : i32
          %dma_wait3A_47 = tpu.memref_slice %arg8[%scan3A_29, %dma_wait3A_46] : memref<16x128xi32, #tpu.memory_space<vmem>> -> memref<1x128xi32, #tpu.memory_space<vmem>>
          %dma_wait3A_48 = tpu.memref_squeeze %dma_wait3A_47 : memref<1x128xi32, #tpu.memory_space<vmem>> -> memref<128xi32, #tpu.memory_space<vmem>>
          %dma_wait3A_49 = arith.constant 0 : i32
          %dma_wait3A_50 = arith.constant 0 : i32
          %dma_wait3A_51 = tpu.memref_slice %arg10[%dma_wait3A_49, %dma_wait3A_50] : memref<10240x128xf32, #tpu.memory_space<vmem_shared>> -> memref<10240x128xf32, #tpu.memory_space<vmem_shared>>
          tpu.wait_indirect_dma semaphore(%run_scoped3A : memref<!tpu.dma_semaphore, #tpu.memory_space<semaphore_mem>>) src(%arg9 : memref<128x128xf32, #tpu.memory_space<vmem>>) dst(%dma_wait3A_51 : memref<10240x128xf32, #tpu.memory_space<vmem_shared>>)
          tpu.yield
        }) : () -> ()
      }
      %scan3A_28 = arith.constant 16 : i32
    }
    %scan3A_7 = arith.constant 10 : i32
    %barrier3A_8 = arith.constant 0 : index
    tpu.barrier barrier_id(%barrier3A_8)
    %mul3A_9 = arith.constant 640 : i32
    %mul3A_10 = arith.muli %arg1, %mul3A_9 : i32
    %mul3A_11 = arith.constant 640 : i32
    %mul3A_12 = arith.muli %arg1, %mul3A_11 : i32
    "tpu.region"() ({
      %run_scoped3A = tpu.sem_alloc : memref<!tpu.dma_semaphore, #tpu.memory_space<semaphore_mem>>
      %dma_start3A = arith.constant 0 : i32
      %dma_start3A_13 = tpu.memref_slice %arg6[%arg0, %mul3A_12, %dma_start3A] : memref<2x10240x128xf32, #tpu.memory_space<hbm>> -> memref<1x640x128xf32, #tpu.memory_space<hbm>>
      %dma_start3A_14 = tpu.memref_squeeze %dma_start3A_13 : memref<1x640x128xf32, #tpu.memory_space<hbm>> -> memref<640x128xf32, #tpu.memory_space<hbm>>
      %dma_start3A_15 = arith.constant 0 : i32
      %dma_start3A_16 = tpu.memref_slice %arg10[%mul3A_10, %dma_start3A_15] : memref<10240x128xf32, #tpu.memory_space<vmem_shared>> -> memref<640x128xf32, #tpu.memory_space<vmem_shared>>
      tpu.enqueue_dma source(%dma_start3A_16 : memref<640x128xf32, #tpu.memory_space<vmem_shared>>) target(%dma_start3A_14 : memref<640x128xf32, #tpu.memory_space<hbm>>) target_semaphore(%run_scoped3A : memref<!tpu.dma_semaphore, #tpu.memory_space<semaphore_mem>>)
      %dma_wait3A = arith.constant 0 : i32
      %dma_wait3A_17 = tpu.memref_slice %arg6[%arg0, %mul3A_12, %dma_wait3A] : memref<2x10240x128xf32, #tpu.memory_space<hbm>> -> memref<1x640x128xf32, #tpu.memory_space<hbm>>
      %dma_wait3A_18 = tpu.memref_squeeze %dma_wait3A_17 : memref<1x640x128xf32, #tpu.memory_space<hbm>> -> memref<640x128xf32, #tpu.memory_space<hbm>>
      %dma_wait3A_19 = arith.constant 0 : i32
      %dma_wait3A_20 = tpu.memref_slice %arg10[%mul3A_10, %dma_wait3A_19] : memref<10240x128xf32, #tpu.memory_space<vmem_shared>> -> memref<640x128xf32, #tpu.memory_space<vmem_shared>>
      tpu.wait_dma2 semaphore(%run_scoped3A : memref<!tpu.dma_semaphore, #tpu.memory_space<semaphore_mem>>) src(%dma_wait3A_20 : memref<640x128xf32, #tpu.memory_space<vmem_shared>>) dst(%dma_wait3A_18 : memref<640x128xf32, #tpu.memory_space<hbm>>)
      tpu.yield
    }) : () -> ()
    return
  }
}

#map = affine_map<(d0, d1) -> (0, 0)>
module attributes {stable_mosaic.version = 14 : i64} {
  func.func @_edge_head(%arg0: i32, %arg1: i32, %arg2: memref<10000x128xf32, #tpu.memory_space<hbm>>, %arg3: memref<10000x128xf32, #tpu.memory_space<hbm>>, %arg4: memref<1024x128xi32, #tpu.memory_space<hbm>>, %arg5: memref<1024x128xi32, #tpu.memory_space<hbm>>, %arg6: memref<131072x16xf32, #tpu.memory_space<hbm>>, %arg7: memref<32x128xi32, #tpu.memory_space<vmem>>, %arg8: memref<32x128xi32, #tpu.memory_space<vmem>>, %arg9: memref<128x128xf32, #tpu.memory_space<vmem>>, %arg10: memref<128x128xf32, #tpu.memory_space<vmem>>, %arg11: memref<128x16xf32, #tpu.memory_space<vmem>>, %arg12: memref<!tpu.dma_semaphore, #tpu.memory_space<semaphore_mem>>, %arg13: memref<!tpu.dma_semaphore, #tpu.memory_space<semaphore_mem>>) attributes {dimension_semantics = [#tpu.dimension_semantics<core_parallel>, #tpu.dimension_semantics<subcore_parallel>], iteration_bounds = array<i64: 2, 16>, scalar_prefetch = 0 : i64, scratch_operands = 7 : i64, tpu.core_type = #tpu.core_type<sc_vector_subcore>, window_params = [{transform_indices = #map}, {transform_indices = #map}, {transform_indices = #map}, {transform_indices = #map}, {transform_indices = #map}]} {
    %mul3A = arith.constant 16 : i32
    %mul3A_0 = arith.muli %arg0, %mul3A : i32
    %add3A = arith.addi %mul3A_0, %arg1 : i32
    %mul3A_1 = arith.constant 32 : i32
    %mul3A_2 = arith.muli %add3A, %mul3A_1 : i32
    "tpu.region"() ({
      %run_scoped3A = tpu.sem_alloc : memref<!tpu.dma_semaphore, #tpu.memory_space<semaphore_mem>>
      %dma_start3A = arith.constant 0 : i32
      %dma_start3A_10 = tpu.memref_slice %arg4[%mul3A_2, %dma_start3A] : memref<1024x128xi32, #tpu.memory_space<hbm>> -> memref<32x128xi32, #tpu.memory_space<hbm>>
      %dma_start3A_11 = arith.constant 0 : i32
      %dma_start3A_12 = tpu.memref_slice %arg4[%mul3A_2, %dma_start3A_11] : memref<1024x128xi32, #tpu.memory_space<hbm>> -> memref<32x128xi32, #tpu.memory_space<hbm>>
      tpu.enqueue_dma source(%dma_start3A_12 : memref<32x128xi32, #tpu.memory_space<hbm>>) target(%arg7 : memref<32x128xi32, #tpu.memory_space<vmem>>) target_semaphore(%run_scoped3A : memref<!tpu.dma_semaphore, #tpu.memory_space<semaphore_mem>>)
      %dma_wait3A = arith.constant 0 : i32
      %dma_wait3A_13 = tpu.memref_slice %arg4[%mul3A_2, %dma_wait3A] : memref<1024x128xi32, #tpu.memory_space<hbm>> -> memref<32x128xi32, #tpu.memory_space<hbm>>
      %dma_wait3A_14 = arith.constant 0 : i32
      %dma_wait3A_15 = tpu.memref_slice %arg4[%mul3A_2, %dma_wait3A_14] : memref<1024x128xi32, #tpu.memory_space<hbm>> -> memref<32x128xi32, #tpu.memory_space<hbm>>
      tpu.wait_dma2 semaphore(%run_scoped3A : memref<!tpu.dma_semaphore, #tpu.memory_space<semaphore_mem>>) src(%dma_wait3A_15 : memref<32x128xi32, #tpu.memory_space<hbm>>) dst(%arg7 : memref<32x128xi32, #tpu.memory_space<vmem>>)
      tpu.yield
    }) : () -> ()
    %mul3A_3 = arith.constant 32 : i32
    %mul3A_4 = arith.muli %add3A, %mul3A_3 : i32
    "tpu.region"() ({
      %run_scoped3A = tpu.sem_alloc : memref<!tpu.dma_semaphore, #tpu.memory_space<semaphore_mem>>
      %dma_start3A = arith.constant 0 : i32
      %dma_start3A_10 = tpu.memref_slice %arg5[%mul3A_4, %dma_start3A] : memref<1024x128xi32, #tpu.memory_space<hbm>> -> memref<32x128xi32, #tpu.memory_space<hbm>>
      %dma_start3A_11 = arith.constant 0 : i32
      %dma_start3A_12 = tpu.memref_slice %arg5[%mul3A_4, %dma_start3A_11] : memref<1024x128xi32, #tpu.memory_space<hbm>> -> memref<32x128xi32, #tpu.memory_space<hbm>>
      tpu.enqueue_dma source(%dma_start3A_12 : memref<32x128xi32, #tpu.memory_space<hbm>>) target(%arg8 : memref<32x128xi32, #tpu.memory_space<vmem>>) target_semaphore(%run_scoped3A : memref<!tpu.dma_semaphore, #tpu.memory_space<semaphore_mem>>)
      %dma_wait3A = arith.constant 0 : i32
      %dma_wait3A_13 = tpu.memref_slice %arg5[%mul3A_4, %dma_wait3A] : memref<1024x128xi32, #tpu.memory_space<hbm>> -> memref<32x128xi32, #tpu.memory_space<hbm>>
      %dma_wait3A_14 = arith.constant 0 : i32
      %dma_wait3A_15 = tpu.memref_slice %arg5[%mul3A_4, %dma_wait3A_14] : memref<1024x128xi32, #tpu.memory_space<hbm>> -> memref<32x128xi32, #tpu.memory_space<hbm>>
      tpu.wait_dma2 semaphore(%run_scoped3A : memref<!tpu.dma_semaphore, #tpu.memory_space<semaphore_mem>>) src(%dma_wait3A_15 : memref<32x128xi32, #tpu.memory_space<hbm>>) dst(%arg8 : memref<32x128xi32, #tpu.memory_space<vmem>>)
      tpu.yield
    }) : () -> ()
    %scan3A = arith.constant 0 : i32
    %scan3A_5 = arith.constant 0 : i32
    %scan3A_6 = arith.constant 32 : i32
    %scan3A_7 = arith.addi %scan3A_5, %scan3A_6 : i32
    %scan3A_8 = arith.constant 1 : i32
    scf.for %scan3A_10 = %scan3A_5 to %scan3A_7 step %scan3A_8  : i32 {
      %dma_start3A = arith.constant 0 : i32
      %dma_start3A_11 = tpu.memref_slice %arg7[%scan3A_10, %dma_start3A] : memref<32x128xi32, #tpu.memory_space<vmem>> -> memref<1x128xi32, #tpu.memory_space<vmem>>
      %dma_start3A_12 = tpu.memref_squeeze %dma_start3A_11 : memref<1x128xi32, #tpu.memory_space<vmem>> -> memref<128xi32, #tpu.memory_space<vmem>>
      %dma_start3A_13 = arith.constant 0 : i32
      %dma_start3A_14 = arith.constant 0 : i32
      %dma_start3A_15 = tpu.memref_slice %arg2[%dma_start3A_13, %dma_start3A_14] : memref<10000x128xf32, #tpu.memory_space<hbm>> -> memref<10000x128xf32, #tpu.memory_space<hbm>>
      tpu.enqueue_indirect_dma source(%dma_start3A_15 : memref<10000x128xf32, #tpu.memory_space<hbm>>) target(%arg9 : memref<128x128xf32, #tpu.memory_space<vmem>>) offsets(%dma_start3A_12 : memref<128xi32, #tpu.memory_space<vmem>>) semaphore(%arg12 : memref<!tpu.dma_semaphore, #tpu.memory_space<semaphore_mem>>)
      %dma_start3A_16 = arith.constant 0 : i32
      %dma_start3A_17 = tpu.memref_slice %arg8[%scan3A_10, %dma_start3A_16] : memref<32x128xi32, #tpu.memory_space<vmem>> -> memref<1x128xi32, #tpu.memory_space<vmem>>
      %dma_start3A_18 = tpu.memref_squeeze %dma_start3A_17 : memref<1x128xi32, #tpu.memory_space<vmem>> -> memref<128xi32, #tpu.memory_space<vmem>>
      %dma_start3A_19 = arith.constant 0 : i32
      %dma_start3A_20 = arith.constant 0 : i32
      %dma_start3A_21 = tpu.memref_slice %arg3[%dma_start3A_19, %dma_start3A_20] : memref<10000x128xf32, #tpu.memory_space<hbm>> -> memref<10000x128xf32, #tpu.memory_space<hbm>>
      tpu.enqueue_indirect_dma source(%dma_start3A_21 : memref<10000x128xf32, #tpu.memory_space<hbm>>) target(%arg10 : memref<128x128xf32, #tpu.memory_space<vmem>>) offsets(%dma_start3A_18 : memref<128xi32, #tpu.memory_space<vmem>>) semaphore(%arg13 : memref<!tpu.dma_semaphore, #tpu.memory_space<semaphore_mem>>)
      %dma_wait3A = arith.constant 0 : i32
      %dma_wait3A_22 = tpu.memref_slice %arg7[%scan3A_10, %dma_wait3A] : memref<32x128xi32, #tpu.memory_space<vmem>> -> memref<1x128xi32, #tpu.memory_space<vmem>>
      %dma_wait3A_23 = tpu.memref_squeeze %dma_wait3A_22 : memref<1x128xi32, #tpu.memory_space<vmem>> -> memref<128xi32, #tpu.memory_space<vmem>>
      %dma_wait3A_24 = arith.constant 0 : i32
      %dma_wait3A_25 = arith.constant 0 : i32
      %dma_wait3A_26 = tpu.memref_slice %arg2[%dma_wait3A_24, %dma_wait3A_25] : memref<10000x128xf32, #tpu.memory_space<hbm>> -> memref<10000x128xf32, #tpu.memory_space<hbm>>
      tpu.wait_indirect_dma semaphore(%arg12 : memref<!tpu.dma_semaphore, #tpu.memory_space<semaphore_mem>>) src(%dma_wait3A_26 : memref<10000x128xf32, #tpu.memory_space<hbm>>) dst(%arg9 : memref<128x128xf32, #tpu.memory_space<vmem>>)
      %dma_wait3A_27 = arith.constant 0 : i32
      %dma_wait3A_28 = tpu.memref_slice %arg8[%scan3A_10, %dma_wait3A_27] : memref<32x128xi32, #tpu.memory_space<vmem>> -> memref<1x128xi32, #tpu.memory_space<vmem>>
      %dma_wait3A_29 = tpu.memref_squeeze %dma_wait3A_28 : memref<1x128xi32, #tpu.memory_space<vmem>> -> memref<128xi32, #tpu.memory_space<vmem>>
      %dma_wait3A_30 = arith.constant 0 : i32
      %dma_wait3A_31 = arith.constant 0 : i32
      %dma_wait3A_32 = tpu.memref_slice %arg3[%dma_wait3A_30, %dma_wait3A_31] : memref<10000x128xf32, #tpu.memory_space<hbm>> -> memref<10000x128xf32, #tpu.memory_space<hbm>>
      tpu.wait_indirect_dma semaphore(%arg13 : memref<!tpu.dma_semaphore, #tpu.memory_space<semaphore_mem>>) src(%dma_wait3A_32 : memref<10000x128xf32, #tpu.memory_space<hbm>>) dst(%arg10 : memref<128x128xf32, #tpu.memory_space<vmem>>)
      %scan3A_33 = arith.constant 0 : i32
      %scan3A_34 = arith.constant 128 : i32
      %scan3A_35 = arith.addi %scan3A_33, %scan3A_34 : i32
      %scan3A_36 = arith.constant 1 : i32
      scf.for %scan3A_43 = %scan3A_33 to %scan3A_35 step %scan3A_36  : i32 {
        %get3A = arith.index_cast %scan3A_43 : i32 to index
        %get3A_44 = arith.constant 0 : index
        %get3A_45 = tpu.vector_load %arg9[%get3A, %get3A_44] {strides = array<i32>} : memref<128x128xf32, #tpu.memory_space<vmem>>, vector<1x16xf32>,
        %get3A_46 = vector.shape_cast %get3A_45 : vector<1x16xf32> to vector<16xf32>
        %get3A_47 = arith.index_cast %scan3A_43 : i32 to index
        %get3A_48 = arith.constant 0 : index
        %get3A_49 = tpu.vector_load %arg10[%get3A_47, %get3A_48] {strides = array<i32>} : memref<128x128xf32, #tpu.memory_space<vmem>>, vector<1x16xf32>,
        %get3A_50 = vector.shape_cast %get3A_49 : vector<1x16xf32> to vector<16xf32>
        %add3A_51 = arith.addf %get3A_46, %get3A_50 : vector<16xf32>
        %neg3A = arith.constant 0.000000e+00 : f32
        %neg3A_52 = vector.broadcast %neg3A : f32 to vector<16xf32>
        %neg3A_53 = arith.subf %neg3A_52, %add3A_51 : vector<16xf32>
        %exp3A = math.exp %neg3A_53 : vector<16xf32>
        %add3A_54 = arith.constant 1.000000e+00 : f32
        %add3A_55 = vector.broadcast %add3A_54 : f32 to vector<16xf32>
        %add3A_56 = arith.addf %add3A_55, %exp3A : vector<16xf32>
        %div3A = arith.constant 1.000000e+00 : f32
        %div3A_57 = vector.broadcast %div3A : f32 to vector<16xf32>
        %div3A_58 = arith.divf %div3A_57, %add3A_56 : vector<16xf32>
        %swap3A = arith.index_cast %scan3A_43 : i32 to index
        %swap3A_59 = arith.constant 0 : index
        %swap3A_60 = tpu.vector_load %arg11[%swap3A, %swap3A_59] {strides = array<i32>} : memref<128x16xf32, #tpu.memory_space<vmem>>, vector<1x16xf32>,
        %swap3A_61 = vector.shape_cast %swap3A_60 : vector<1x16xf32> to vector<16xf32>
        %swap3A_62 = vector.shape_cast %div3A_58 : vector<16xf32> to vector<1x16xf32>
        tpu.vector_store %arg11[%swap3A, %swap3A_59], %swap3A_62 {strides = array<i32>} : memref<128x16xf32, #tpu.memory_space<vmem>>, vector<1x16xf32>,
      }
      %scan3A_37 = arith.constant 128 : i32
      %mul3A_38 = arith.constant 4096 : i32
      %mul3A_39 = arith.muli %add3A, %mul3A_38 : i32
      %mul3A_40 = arith.constant 128 : i32
      %mul3A_41 = arith.muli %scan3A_10, %mul3A_40 : i32
      %add3A_42 = arith.addi %mul3A_39, %mul3A_41 : i32
      "tpu.region"() ({
        %run_scoped3A = tpu.sem_alloc : memref<!tpu.dma_semaphore, #tpu.memory_space<semaphore_mem>>
        %dma_start3A_43 = arith.constant 0 : i32
        %dma_start3A_44 = tpu.memref_slice %arg6[%add3A_42, %dma_start3A_43] : memref<131072x16xf32, #tpu.memory_space<hbm>> -> memref<128x16xf32, #tpu.memory_space<hbm>>
        %dma_start3A_45 = arith.constant 0 : i32
        %dma_start3A_46 = tpu.memref_slice %arg6[%add3A_42, %dma_start3A_45] : memref<131072x16xf32, #tpu.memory_space<hbm>> -> memref<128x16xf32, #tpu.memory_space<hbm>>
        tpu.enqueue_dma source(%arg11 : memref<128x16xf32, #tpu.memory_space<vmem>>) target(%dma_start3A_46 : memref<128x16xf32, #tpu.memory_space<hbm>>) target_semaphore(%run_scoped3A : memref<!tpu.dma_semaphore, #tpu.memory_space<semaphore_mem>>)
        %dma_wait3A_47 = arith.constant 0 : i32
        %dma_wait3A_48 = tpu.memref_slice %arg6[%add3A_42, %dma_wait3A_47] : memref<131072x16xf32, #tpu.memory_space<hbm>> -> memref<128x16xf32, #tpu.memory_space<hbm>>
        %dma_wait3A_49 = arith.constant 0 : i32
        %dma_wait3A_50 = tpu.memref_slice %arg6[%add3A_42, %dma_wait3A_49] : memref<131072x16xf32, #tpu.memory_space<hbm>> -> memref<128x16xf32, #tpu.memory_space<hbm>>
        tpu.wait_dma2 semaphore(%run_scoped3A : memref<!tpu.dma_semaphore, #tpu.memory_space<semaphore_mem>>) src(%arg11 : memref<128x16xf32, #tpu.memory_space<vmem>>) dst(%dma_wait3A_50 : memref<128x16xf32, #tpu.memory_space<hbm>>)
        tpu.yield
      }) : () -> ()
    }
    %scan3A_9 = arith.constant 32 : i32
    return
  }
}

module attributes {stable_mosaic.version = 14 : i64} {
  func.func @_tc1_body(%arg0: i32, %arg1: memref<80x128xf32, #tpu.memory_space<vmem>>, %arg2: memref<2x80x128xf32, #tpu.memory_space<vmem>>, %arg3: memref<2x80x1xf32, #tpu.memory_space<vmem>>, %arg4: memref<128x256xf32, #tpu.memory_space<vmem>>, %arg5: memref<128x256xf32, #tpu.memory_space<vmem>>, %arg6: memref<1x256xf32, #tpu.memory_space<vmem>>, %arg7: memref<2x80x128xf32, #tpu.memory_space<vmem>>, %arg8: memref<80x1xf32, #tpu.memory_space<vmem>>) attributes {dimension_semantics = [#tpu.dimension_semantics<arbitrary>], iteration_bounds = array<i64: 125>, scalar_prefetch = 0 : i64, scratch_operands = 0 : i64, tpu.core_type = #tpu.core_type<tc>, window_params = [{transform_indices = @transform_0, window_bounds = array<i64: 80, 128>}, {transform_indices = @transform_1, window_bounds = array<i64: 2, 80, 128>}, {transform_indices = @transform_2, window_bounds = array<i64: 2, 80, 1>}, {pipeline_mode = #tpu.pipeline_mode<synchronous>, transform_indices = @transform_3, window_bounds = array<i64: 128, 256>}, {pipeline_mode = #tpu.pipeline_mode<synchronous>, transform_indices = @transform_4, window_bounds = array<i64: 128, 256>}, {pipeline_mode = #tpu.pipeline_mode<synchronous>, transform_indices = @transform_5, window_bounds = array<i64: 1, 256>}, {transform_indices = @transform_6, window_bounds = array<i64: 2, 80, 128>}, {transform_indices = @transform_7, window_bounds = array<i64: 80, 1>}]} {
    %get3A = arith.constant 0 : index
    %get3A_0 = arith.constant 0 : index
    %get3A_1 = arith.constant 0 : index
    %get3A_2 = vector.load %arg3[%get3A, %get3A_0, %get3A_1] : memref<2x80x1xf32, #tpu.memory_space<vmem>>, vector<1x80x1xf32>
    %get3A_3 = vector.shape_cast %get3A_2 : vector<1x80x1xf32> to vector<80x1xf32>
    %get3A_4 = arith.constant 1 : index
    %get3A_5 = arith.constant 0 : index
    %get3A_6 = arith.constant 0 : index
    %get3A_7 = vector.load %arg3[%get3A_4, %get3A_5, %get3A_6] : memref<2x80x1xf32, #tpu.memory_space<vmem>>, vector<1x80x1xf32>
    %get3A_8 = vector.shape_cast %get3A_7 : vector<1x80x1xf32> to vector<80x1xf32>
    %add3A = arith.addf %get3A_3, %get3A_8 : vector<80x1xf32>
    %max3A = arith.constant 1.000000e+00 : f32
    %max3A_9 = vector.broadcast %max3A : f32 to vector<80x1xf32>
    %max3A_10 = arith.maximumf %add3A, %max3A_9 : vector<80x1xf32>
    %get3A_11 = arith.constant 0 : index
    %get3A_12 = arith.constant 0 : index
    %get3A_13 = arith.constant 0 : index
    %get3A_14 = vector.load %arg2[%get3A_11, %get3A_12, %get3A_13] : memref<2x80x128xf32, #tpu.memory_space<vmem>>, vector<1x80x128xf32>
    %get3A_15 = vector.shape_cast %get3A_14 : vector<1x80x128xf32> to vector<80x128xf32>
    %get3A_16 = arith.constant 1 : index
    %get3A_17 = arith.constant 0 : index
    %get3A_18 = arith.constant 0 : index
    %get3A_19 = vector.load %arg2[%get3A_16, %get3A_17, %get3A_18] : memref<2x80x128xf32, #tpu.memory_space<vmem>>, vector<1x80x128xf32>
    %get3A_20 = vector.shape_cast %get3A_19 : vector<1x80x128xf32> to vector<80x128xf32>
    %add3A_21 = arith.addf %get3A_15, %get3A_20 : vector<80x128xf32>
    %div3A = vector.broadcast %max3A_10 : vector<80x1xf32> to vector<80x128xf32>
    %div3A_22 = arith.divf %add3A_21, %div3A : vector<80x128xf32>
    %get3A_23 = arith.constant 0 : index
    %get3A_24 = arith.constant 0 : index
    %get3A_25 = vector.load %arg1[%get3A_23, %get3A_24] : memref<80x128xf32, #tpu.memory_space<vmem>>, vector<80x128xf32>
    %get3A_26 = arith.constant 0 : index
    %get3A_27 = arith.constant 0 : index
    %get3A_28 = vector.load %arg4[%get3A_26, %get3A_27] : memref<128x256xf32, #tpu.memory_space<vmem>>, vector<128x256xf32>
    %dot_general3A = arith.constant dense<0.000000e+00> : vector<80x256xf32>
    %dot_general3A_29 = tpu.matmul %get3A_25, %get3A_28, %dot_general3A {dimension_numbers = #tpu.dot_dimension_numbers<[1], [0], [0], [1], [0, 0, 1, 1], [], []>, transpose_lhs_hint = false} : vector<80x128xf32>, vector<128x256xf32>, vector<80x256xf32> -> vector<80x256xf32>
    %get3A_30 = arith.constant 0 : index
    %get3A_31 = arith.constant 0 : index
    %get3A_32 = vector.load %arg5[%get3A_30, %get3A_31] : memref<128x256xf32, #tpu.memory_space<vmem>>, vector<128x256xf32>
    %dot_general3A_33 = arith.constant dense<0.000000e+00> : vector<80x256xf32>
    %dot_general3A_34 = tpu.matmul %div3A_22, %get3A_32, %dot_general3A_33 {dimension_numbers = #tpu.dot_dimension_numbers<[1], [0], [0], [1], [0, 0, 1, 1], [], []>, transpose_lhs_hint = false} : vector<80x128xf32>, vector<128x256xf32>, vector<80x256xf32> -> vector<80x256xf32>
    %add3A_35 = arith.addf %dot_general3A_29, %dot_general3A_34 : vector<80x256xf32>
    %get3A_36 = arith.constant 0 : index
    %get3A_37 = arith.constant 0 : index
    %get3A_38 = vector.load %arg6[%get3A_36, %get3A_37] : memref<1x256xf32, #tpu.memory_space<vmem>>, vector<1x256xf32>
    %add3A_39 = vector.broadcast %get3A_38 : vector<1x256xf32> to vector<80x256xf32>
    %add3A_40 = arith.addf %add3A_35, %add3A_39 : vector<80x256xf32>
    %max3A_41 = arith.constant 0.000000e+00 : f32
    %max3A_42 = vector.broadcast %max3A_41 : f32 to vector<80x256xf32>
    %max3A_43 = arith.maximumf %add3A_40, %max3A_42 : vector<80x256xf32>
    %slice3A = vector.extract_strided_slice %max3A_43 {offsets = [0, 0], sizes = [80, 128], strides = [1, 1]} : vector<80x256xf32> to vector<80x128xf32>
    %swap3A = arith.constant 0 : index
    %swap3A_44 = arith.constant 0 : index
    %swap3A_45 = arith.constant 0 : index
    %swap3A_46 = vector.load %arg7[%swap3A, %swap3A_44, %swap3A_45] : memref<2x80x128xf32, #tpu.memory_space<vmem>>, vector<1x80x128xf32>
    %swap3A_47 = vector.shape_cast %swap3A_46 : vector<1x80x128xf32> to vector<80x128xf32>
    %swap3A_48 = vector.shape_cast %slice3A : vector<80x128xf32> to vector<1x80x128xf32>
    tpu.vector_store %arg7[%swap3A, %swap3A_44, %swap3A_45], %swap3A_48 {strides = array<i32>} : memref<2x80x128xf32, #tpu.memory_space<vmem>>, vector<1x80x128xf32>,
    %slice3A_49 = vector.extract_strided_slice %max3A_43 {offsets = [0, 128], sizes = [80, 128], strides = [1, 1]} : vector<80x256xf32> to vector<80x128xf32>
    %swap3A_50 = arith.constant 1 : index
    %swap3A_51 = arith.constant 0 : index
    %swap3A_52 = arith.constant 0 : index
    %swap3A_53 = vector.load %arg7[%swap3A_50, %swap3A_51, %swap3A_52] : memref<2x80x128xf32, #tpu.memory_space<vmem>>, vector<1x80x128xf32>
    %swap3A_54 = vector.shape_cast %swap3A_53 : vector<1x80x128xf32> to vector<80x128xf32>
    %swap3A_55 = vector.shape_cast %slice3A_49 : vector<80x128xf32> to vector<1x80x128xf32>
    tpu.vector_store %arg7[%swap3A_50, %swap3A_51, %swap3A_52], %swap3A_55 {strides = array<i32>} : memref<2x80x128xf32, #tpu.memory_space<vmem>>, vector<1x80x128xf32>,
    %swap3A_56 = arith.constant 0 : index
    %swap3A_57 = arith.constant 0 : index
    %swap3A_58 = vector.load %arg8[%swap3A_56, %swap3A_57] : memref<80x1xf32, #tpu.memory_space<vmem>>, vector<80x1xf32>
    tpu.vector_store %arg8[%swap3A_56, %swap3A_57], %max3A_10 {strides = array<i32>} : memref<80x1xf32, #tpu.memory_space<vmem>>, vector<80x1xf32>,
    return
  }
  func.func @transform_0(%arg0: i32) -> (i32, i32) {
    %c0_i32 = arith.constant 0 : i32
    %c0_i32_0 = arith.constant 0 : i32
    return %arg0, %c0_i32 : i32, i32
  }
  func.func @transform_1(%arg0: i32) -> (i32, i32, i32) {
    %c0_i32 = arith.constant 0 : i32
    %c0_i32_0 = arith.constant 0 : i32
    %c0_i32_1 = arith.constant 0 : i32
    return %c0_i32, %arg0, %c0_i32_0 : i32, i32, i32
  }
  func.func @transform_2(%arg0: i32) -> (i32, i32, i32) {
    %c0_i32 = arith.constant 0 : i32
    %c0_i32_0 = arith.constant 0 : i32
    %c0_i32_1 = arith.constant 0 : i32
    return %c0_i32, %arg0, %c0_i32_0 : i32, i32, i32
  }
  func.func @transform_3(%arg0: i32) -> (i32, i32) {
    %c0_i32 = arith.constant 0 : i32
    %c0_i32_0 = arith.constant 0 : i32
    %c0_i32_1 = arith.constant 0 : i32
    return %c0_i32, %c0_i32_0 : i32, i32
  }
  func.func @transform_4(%arg0: i32) -> (i32, i32) {
    %c0_i32 = arith.constant 0 : i32
    %c0_i32_0 = arith.constant 0 : i32
    %c0_i32_1 = arith.constant 0 : i32
    return %c0_i32, %c0_i32_0 : i32, i32
  }
  func.func @transform_5(%arg0: i32) -> (i32, i32) {
    %c0_i32 = arith.constant 0 : i32
    %c0_i32_0 = arith.constant 0 : i32
    %c0_i32_1 = arith.constant 0 : i32
    return %c0_i32, %c0_i32_0 : i32, i32
  }
  func.func @transform_6(%arg0: i32) -> (i32, i32, i32) {
    %c0_i32 = arith.constant 0 : i32
    %c0_i32_0 = arith.constant 0 : i32
    %c0_i32_1 = arith.constant 0 : i32
    return %c0_i32, %arg0, %c0_i32_0 : i32, i32, i32
  }
  func.func @transform_7(%arg0: i32) -> (i32, i32) {
    %c0_i32 = arith.constant 0 : i32
    %c0_i32_0 = arith.constant 0 : i32
    return %arg0, %c0_i32 : i32, i32
  }
}

module attributes {stable_mosaic.version = 14 : i64} {
  func.func @_tc2_body(%arg0: i32, %arg1: memref<2x80x128xf32, #tpu.memory_space<vmem>>, %arg2: memref<2x80x128xf32, #tpu.memory_space<vmem>>, %arg3: memref<80x1xf32, #tpu.memory_space<vmem>>, %arg4: memref<256x256xf32, #tpu.memory_space<vmem>>, %arg5: memref<256x256xf32, #tpu.memory_space<vmem>>, %arg6: memref<1x256xf32, #tpu.memory_space<vmem>>, %arg7: memref<256x128xf32, #tpu.memory_space<vmem>>, %arg8: memref<256x128xf32, #tpu.memory_space<vmem>>, %arg9: memref<1x128xf32, #tpu.memory_space<vmem>>, %arg10: memref<80x128xf32, #tpu.memory_space<vmem>>, %arg11: memref<80x128xf32, #tpu.memory_space<vmem>>) attributes {dimension_semantics = [#tpu.dimension_semantics<arbitrary>], iteration_bounds = array<i64: 125>, scalar_prefetch = 0 : i64, scratch_operands = 0 : i64, tpu.core_type = #tpu.core_type<tc>, window_params = [{transform_indices = @transform_0, window_bounds = array<i64: 2, 80, 128>}, {transform_indices = @transform_1, window_bounds = array<i64: 2, 80, 128>}, {transform_indices = @transform_2, window_bounds = array<i64: 80, 1>}, {pipeline_mode = #tpu.pipeline_mode<synchronous>, transform_indices = @transform_3, window_bounds = array<i64: 256, 256>}, {pipeline_mode = #tpu.pipeline_mode<synchronous>, transform_indices = @transform_4, window_bounds = array<i64: 256, 256>}, {pipeline_mode = #tpu.pipeline_mode<synchronous>, transform_indices = @transform_5, window_bounds = array<i64: 1, 256>}, {pipeline_mode = #tpu.pipeline_mode<synchronous>, transform_indices = @transform_6, window_bounds = array<i64: 256, 128>}, {pipeline_mode = #tpu.pipeline_mode<synchronous>, transform_indices = @transform_7, window_bounds = array<i64: 256, 128>}, {pipeline_mode = #tpu.pipeline_mode<synchronous>, transform_indices = @transform_8, window_bounds = array<i64: 1, 128>}, {transform_indices = @transform_9, window_bounds = array<i64: 80, 128>}, {transform_indices = @transform_10, window_bounds = array<i64: 80, 128>}]} {
    %get3A = arith.constant 0 : index
    %get3A_0 = arith.constant 0 : index
    %get3A_1 = arith.constant 0 : index
    %get3A_2 = vector.load %arg1[%get3A, %get3A_0, %get3A_1] : memref<2x80x128xf32, #tpu.memory_space<vmem>>, vector<1x80x128xf32>
    %get3A_3 = vector.shape_cast %get3A_2 : vector<1x80x128xf32> to vector<80x128xf32>
    %get3A_4 = arith.constant 1 : index
    %get3A_5 = arith.constant 0 : index
    %get3A_6 = arith.constant 0 : index
    %get3A_7 = vector.load %arg1[%get3A_4, %get3A_5, %get3A_6] : memref<2x80x128xf32, #tpu.memory_space<vmem>>, vector<1x80x128xf32>
    %get3A_8 = vector.shape_cast %get3A_7 : vector<1x80x128xf32> to vector<80x128xf32>
    %concatenate3A = tpu.concatenate %get3A_3, %get3A_8 in 1 : vector<80x128xf32>, vector<80x128xf32> -> vector<80x256xf32>
    %get3A_9 = arith.constant 0 : index
    %get3A_10 = arith.constant 0 : index
    %get3A_11 = arith.constant 0 : index
    %get3A_12 = vector.load %arg2[%get3A_9, %get3A_10, %get3A_11] : memref<2x80x128xf32, #tpu.memory_space<vmem>>, vector<1x80x128xf32>
    %get3A_13 = vector.shape_cast %get3A_12 : vector<1x80x128xf32> to vector<80x128xf32>
    %get3A_14 = arith.constant 1 : index
    %get3A_15 = arith.constant 0 : index
    %get3A_16 = arith.constant 0 : index
    %get3A_17 = vector.load %arg2[%get3A_14, %get3A_15, %get3A_16] : memref<2x80x128xf32, #tpu.memory_space<vmem>>, vector<1x80x128xf32>
    %get3A_18 = vector.shape_cast %get3A_17 : vector<1x80x128xf32> to vector<80x128xf32>
    %concatenate3A_19 = tpu.concatenate %get3A_13, %get3A_18 in 1 : vector<80x128xf32>, vector<80x128xf32> -> vector<80x256xf32>
    %get3A_20 = arith.constant 0 : index
    %get3A_21 = arith.constant 0 : index
    %get3A_22 = vector.load %arg3[%get3A_20, %get3A_21] : memref<80x1xf32, #tpu.memory_space<vmem>>, vector<80x1xf32>
    %div3A = vector.broadcast %get3A_22 : vector<80x1xf32> to vector<80x256xf32>
    %div3A_23 = arith.divf %concatenate3A_19, %div3A : vector<80x256xf32>
    %get3A_24 = arith.constant 0 : index
    %get3A_25 = arith.constant 0 : index
    %get3A_26 = vector.load %arg4[%get3A_24, %get3A_25] : memref<256x256xf32, #tpu.memory_space<vmem>>, vector<256x256xf32>
    %dot_general3A = arith.constant dense<0.000000e+00> : vector<80x256xf32>
    %dot_general3A_27 = tpu.matmul %concatenate3A, %get3A_26, %dot_general3A {dimension_numbers = #tpu.dot_dimension_numbers<[1], [0], [0], [1], [0, 0, 1, 1], [], []>, transpose_lhs_hint = false} : vector<80x256xf32>, vector<256x256xf32>, vector<80x256xf32> -> vector<80x256xf32>
    %get3A_28 = arith.constant 0 : index
    %get3A_29 = arith.constant 0 : index
    %get3A_30 = vector.load %arg5[%get3A_28, %get3A_29] : memref<256x256xf32, #tpu.memory_space<vmem>>, vector<256x256xf32>
    %dot_general3A_31 = arith.constant dense<0.000000e+00> : vector<80x256xf32>
    %dot_general3A_32 = tpu.matmul %div3A_23, %get3A_30, %dot_general3A_31 {dimension_numbers = #tpu.dot_dimension_numbers<[1], [0], [0], [1], [0, 0, 1, 1], [], []>, transpose_lhs_hint = false} : vector<80x256xf32>, vector<256x256xf32>, vector<80x256xf32> -> vector<80x256xf32>
    %add3A = arith.addf %dot_general3A_27, %dot_general3A_32 : vector<80x256xf32>
    %get3A_33 = arith.constant 0 : index
    %get3A_34 = arith.constant 0 : index
    %get3A_35 = vector.load %arg6[%get3A_33, %get3A_34] : memref<1x256xf32, #tpu.memory_space<vmem>>, vector<1x256xf32>
    %add3A_36 = vector.broadcast %get3A_35 : vector<1x256xf32> to vector<80x256xf32>
    %add3A_37 = arith.addf %add3A, %add3A_36 : vector<80x256xf32>
    %max3A = arith.constant 0.000000e+00 : f32
    %max3A_38 = vector.broadcast %max3A : f32 to vector<80x256xf32>
    %max3A_39 = arith.maximumf %add3A_37, %max3A_38 : vector<80x256xf32>
    %get3A_40 = arith.constant 0 : index
    %get3A_41 = arith.constant 0 : index
    %get3A_42 = vector.load %arg7[%get3A_40, %get3A_41] : memref<256x128xf32, #tpu.memory_space<vmem>>, vector<256x128xf32>
    %dot_general3A_43 = arith.constant dense<0.000000e+00> : vector<80x128xf32>
    %dot_general3A_44 = tpu.matmul %max3A_39, %get3A_42, %dot_general3A_43 {dimension_numbers = #tpu.dot_dimension_numbers<[1], [0], [0], [1], [0, 0, 1, 1], [], []>, transpose_lhs_hint = false} : vector<80x256xf32>, vector<256x128xf32>, vector<80x128xf32> -> vector<80x128xf32>
    %get3A_45 = arith.constant 0 : index
    %get3A_46 = arith.constant 0 : index
    %get3A_47 = vector.load %arg9[%get3A_45, %get3A_46] : memref<1x128xf32, #tpu.memory_space<vmem>>, vector<1x128xf32>
    %add3A_48 = vector.broadcast %get3A_47 : vector<1x128xf32> to vector<80x128xf32>
    %add3A_49 = arith.addf %dot_general3A_44, %add3A_48 : vector<80x128xf32>
    %swap3A = arith.constant 0 : index
    %swap3A_50 = arith.constant 0 : index
    %swap3A_51 = vector.load %arg10[%swap3A, %swap3A_50] : memref<80x128xf32, #tpu.memory_space<vmem>>, vector<80x128xf32>
    tpu.vector_store %arg10[%swap3A, %swap3A_50], %add3A_49 {strides = array<i32>} : memref<80x128xf32, #tpu.memory_space<vmem>>, vector<80x128xf32>,
    %get3A_52 = arith.constant 0 : index
    %get3A_53 = arith.constant 0 : index
    %get3A_54 = vector.load %arg8[%get3A_52, %get3A_53] : memref<256x128xf32, #tpu.memory_space<vmem>>, vector<256x128xf32>
    %dot_general3A_55 = arith.constant dense<0.000000e+00> : vector<80x128xf32>
    %dot_general3A_56 = tpu.matmul %max3A_39, %get3A_54, %dot_general3A_55 {dimension_numbers = #tpu.dot_dimension_numbers<[1], [0], [0], [1], [0, 0, 1, 1], [], []>, transpose_lhs_hint = false} : vector<80x256xf32>, vector<256x128xf32>, vector<80x128xf32> -> vector<80x128xf32>
    %swap3A_57 = arith.constant 0 : index
    %swap3A_58 = arith.constant 0 : index
    %swap3A_59 = vector.load %arg11[%swap3A_57, %swap3A_58] : memref<80x128xf32, #tpu.memory_space<vmem>>, vector<80x128xf32>
    tpu.vector_store %arg11[%swap3A_57, %swap3A_58], %dot_general3A_56 {strides = array<i32>} : memref<80x128xf32, #tpu.memory_space<vmem>>, vector<80x128xf32>,
    return
  }
  func.func @transform_0(%arg0: i32) -> (i32, i32, i32) {
    %c0_i32 = arith.constant 0 : i32
    %c0_i32_0 = arith.constant 0 : i32
    %c0_i32_1 = arith.constant 0 : i32
    return %c0_i32, %arg0, %c0_i32_0 : i32, i32, i32
  }
  func.func @transform_1(%arg0: i32) -> (i32, i32, i32) {
    %c0_i32 = arith.constant 0 : i32
    %c0_i32_0 = arith.constant 0 : i32
    %c0_i32_1 = arith.constant 0 : i32
    return %c0_i32, %arg0, %c0_i32_0 : i32, i32, i32
  }
  func.func @transform_2(%arg0: i32) -> (i32, i32) {
    %c0_i32 = arith.constant 0 : i32
    %c0_i32_0 = arith.constant 0 : i32
    return %arg0, %c0_i32 : i32, i32
  }
  func.func @transform_3(%arg0: i32) -> (i32, i32) {
    %c0_i32 = arith.constant 0 : i32
    %c0_i32_0 = arith.constant 0 : i32
    %c0_i32_1 = arith.constant 0 : i32
    return %c0_i32, %c0_i32_0 : i32, i32
  }
  func.func @transform_4(%arg0: i32) -> (i32, i32) {
    %c0_i32 = arith.constant 0 : i32
    %c0_i32_0 = arith.constant 0 : i32
    %c0_i32_1 = arith.constant 0 : i32
    return %c0_i32, %c0_i32_0 : i32, i32
  }
  func.func @transform_5(%arg0: i32) -> (i32, i32) {
    %c0_i32 = arith.constant 0 : i32
    %c0_i32_0 = arith.constant 0 : i32
    %c0_i32_1 = arith.constant 0 : i32
    return %c0_i32, %c0_i32_0 : i32, i32
  }
  func.func @transform_6(%arg0: i32) -> (i32, i32) {
    %c0_i32 = arith.constant 0 : i32
    %c0_i32_0 = arith.constant 0 : i32
    %c0_i32_1 = arith.constant 0 : i32
    return %c0_i32, %c0_i32_0 : i32, i32
  }
  func.func @transform_7(%arg0: i32) -> (i32, i32) {
    %c0_i32 = arith.constant 0 : i32
    %c0_i32_0 = arith.constant 0 : i32
    %c0_i32_1 = arith.constant 0 : i32
    return %c0_i32, %c0_i32_0 : i32, i32
  }
  func.func @transform_8(%arg0: i32) -> (i32, i32) {
    %c0_i32 = arith.constant 0 : i32
    %c0_i32_0 = arith.constant 0 : i32
    %c0_i32_1 = arith.constant 0 : i32
    return %c0_i32, %c0_i32_0 : i32, i32
  }
  func.func @transform_9(%arg0: i32) -> (i32, i32) {
    %c0_i32 = arith.constant 0 : i32
    %c0_i32_0 = arith.constant 0 : i32
    return %arg0, %c0_i32 : i32, i32
  }
  func.func @transform_10(%arg0: i32) -> (i32, i32) {
    %c0_i32 = arith.constant 0 : i32
    %c0_i32_0 = arith.constant 0 : i32
    return %arg0, %c0_i32 : i32, i32
  }
}

</mosaic_0001>

<sc_bundles>
// kernel: kernel.10.cloned.1.call-start
scs
__scs_entry_jumppad:
0x0: {  	(pc) =	sbr.rel $0x88, $3  }
0x1: {  	(tag) =	ssettag $0x0;
	lr =	simm.s32 $0x1  }
0x2: {  	[smem:$0x3F96] =	sst lr;
	_ =	strace $0xD0000000  }
0x3: {  	_ = 	snop  }
0x4: {  	_ = 	snop  }
0x5: {  	_ = 	snop  }
0x6: {  	_ = 	snop  }
0x7: {  	_ = 	snop  }
__scs_overlays_trampoline_lowered:
0x8: {  	[smem:$0x3FA5] =	sst s0  }
0x9: {  	[smem:$0x3FA6] =	sst s1  }
0xa: {  	[smem:$0x3FA7] =	sst s2  }
0xb: {  	[smem:$0x3FA8] =	sst s3  }
0xc: {  	[smem:$0x3FA9] =	sst s4  }
0xd: {  	[smem:$0x3FAA] =	sst s5  }
0xe: {  	[smem:$0x3FAB] =	sst s6  }
0xf: {  	[smem:$0x3FAC] =	sst s7  }
0x10: {  	[smem:$0x3FAD] =	sst s8  }
0x11: {  	[smem:$0x3FAE] =	sst s9;
	s0 =	simm.s32 @!p0 $0x0  }
0x12: {  	s1 =	sld [smem:$0x3F94];
	s0 =	simm.s32 @p0 $0x1  }
0x13: {  	[smem:$0x3FAF] =	sst s0;
	s0 =	simm.s32 @!p1 $0x0  }
0x14: {  	s2 =	sld [smem:$0x3F93];
	s0 =	simm.s32 @p1 $0x1  }
0x15: {  	[smem:$0x3FB0] =	sst s0;
	s0 =	simm.s32 @!p2 $0x0  }
0x16: {  	s3 =	sld [smem:$0x3FDB];
	s0 =	simm.s32 @p2 $0x1  }
0x17: {  	s4 =	simm.s32 $0x1BF5;
	[smem:$0x3FB2] =	sst s0  }
0x18: {  	s0 =	sld [smem:$0x3F95];
	_ =	swait.ge [sflag:s4], $0x0  }
0x19: {  	s7 =	sld [smem:$0x3F96]  }
0x1a: {  	s8 =	sadd.s32 $0xFFFFE003, lr  }
0x1b: {  	s9 =	sadd.s32 $0xFFFFFEF7, lr;
	s5 =	simm.s32 $0xFFFFFFFF;
	p2 =	slt.u32 s8, $0xFFFFF086  }
0x1c: {  	p1 =	slt.u32 s9, $0xF7A;
	s5 =	simm.s32 @!p2 $0x0  }
0x1d: {  	s5 =	simm.s32 @p1 $0x1;
	p0 =	seq.s32 s7, s2  }
0x1e: {  	s7 =	smul.u32 @!p0 $0xF7A, s2;
	p2 =	seq.s32 @!p0 s5, $0x0  }
0x1f: {  	s9 =	smul.u32 $0xF7A, s1;
	s8 =	simm.s32 @!p0 $0x1BF5;
	p2 =	por !p2, p0  }
0x20: {  	[sflag:s8] =	ssyncset.s32 @!p0 $0xFFFFF086;
	s6 =	sadd.s32 @!p0 s3, s7;
	s7 =	simm.s32 @!p0 $0x108  }
0x21: {  	s3 =	sadd.s32 s3, s9;
	s6 =	sadd.s32 @!p0 $0x88, s6;
	s7 =	simm.s32 @p2 $0x1082  }
0x22: {  	[simem:s7], [sflag:s8] =	dma.local @!p0 [hbm:s6], $0xF7A  }
0x23: {  	s9 =	sor.u32 $0xD0000000, s2;
	s6 =	simm.s32 $0x108;
	_ =	swait.ge @!p0 [sflag:s8], $0x0  }
0x24: {  	s3 =	sadd.s32 $0x88, s3;
	s6 =	simm.s32 @!p1 $0x1082;
	[sflag:s4] =	ssyncset.s32 $0xFFFFF086  }
0x25: {  	[simem:s6], [sflag:s4] =	dma.local [hbm:s3], $0xF7A  }
0x26: {  	[smem:$0x3F96] =	sst s1;
	(tag) =	ssettag s2;
	_ =	strace s9  }
0x27: {  	s1 =	sld [smem:$0x3FA6]  }
0x28: {  	s2 =	sld [smem:$0x3FA7]  }
0x29: {  	s4 =	sld [smem:$0x3FA9]  }
0x2a: {  	p0 =	seq.s32 s5, $0x0;
	s5 =	sld [smem:$0x3FAA]  }
0x2b: {  	s6 =	sld [smem:$0x3FAB]  }
0x2c: {  	s7 =	sld [smem:$0x3FAC]  }
0x2d: {  	s3 =	simm.s32 $0x108;
	s8 =	sld [smem:$0x3FAD]  }
0x2e: {  	s3 =	simm.s32 @!p0 $0x1082;
	s9 =	sld [smem:$0x3FAE]  }
0x2f: {  	lr =	sadd.s32 s0, s3;
	s0 =	sld [smem:$0x3FA5]  }
0x30: {  	s3 =	sld [smem:$0x3FA8]  }
0x31: {  	[smem:$0x3FB1] =	sst s10  }
0x32: {  	s10 =	sld [smem:$0x3FAF];
	_ =	sdelay $0x3  }
0x33: {  	p0 =	seq.s32 s10, $0x1;
	s10 =	sld [smem:$0x3FB1];
	_ =	sdelay $0x3  }
0x34: {  	[smem:$0x3FB1] =	sst s10  }
0x35: {  	s10 =	sld [smem:$0x3FB0];
	_ =	sdelay $0x3  }
0x36: {  	p1 =	seq.s32 s10, $0x1;
	s10 =	sld [smem:$0x3FB1];
	_ =	sdelay $0x3  }
0x37: {  	[smem:$0x3FB1] =	sst s10  }
0x38: {  	s10 =	sld [smem:$0x3FB2]  }
0x39: {  	_ = 	snop;
	(pc) =	sbr.ind lr, $3  }
0x3a: {  	_ = 	snop  }
0x3b: {  	_ = 	snop  }
0x3c: {  	p2 =	seq.s32 s10, $0x1;
	s10 =	sld [smem:$0x3FB1]  }
0x3d: {  	_ =	shalt  }
0x3e: {  	_ =	shalt  }
0x3f: {  	_ =	shalt  }
0x40: {  	_ =	shalt  }
0x41: {  	_ =	shalt  }
0x42: {  	_ =	shalt  }
0x43: {  	_ =	shalt  }
0x44: {  	_ =	shalt  }
0x45: {  	_ =	shalt  }
0x46: {  	_ =	shalt  }
0x47: {  	_ =	shalt  }
0x48: {  	_ =	shalt  }
0x49: {  	_ =	shalt  }
0x4a: {  	_ =	shalt  }
0x4b: {  	_ =	shalt  }
0x4c: {  	_ =	shalt  }
0x4d: {  	_ =	shalt  }
0x4e: {  	_ =	shalt  }
0x4f: {  	_ =	shalt  }
0x50: {  	_ =	shalt  }
0x51: {  	_ =	shalt  }
0x52: {  	_ =	shalt  }
0x53: {  	_ =	shalt  }
0x54: {  	_ =	shalt  }
0x55: {  	_ =	shalt  }
0x56: {  	_ =	shalt  }
0x57: {  	_ =	shalt  }
0x58: {  	_ =	shalt  }
0x59: {  	_ =	shalt  }
0x5a: {  	_ =	shalt  }
0x5b: {  	_ =	shalt  }
0x5c: {  	_ =	shalt  }
0x5d: {  	_ =	shalt  }
0x5e: {  	_ =	shalt  }
0x5f: {  	_ =	shalt  }
0x60: {  	_ =	shalt  }
0x61: {  	_ =	shalt  }
0x62: {  	_ =	shalt  }
0x63: {  	_ =	shalt  }
0x64: {  	_ =	shalt  }
0x65: {  	_ =	shalt  }
0x66: {  	_ =	shalt  }
0x67: {  	_ =	shalt  }
0x68: {  	_ =	shalt  }
0x69: {  	_ =	shalt  }
0x6a: {  	_ =	shalt  }
0x6b: {  	_ =	shalt  }
0x6c: {  	_ =	shalt  }
0x6d: {  	_ =	shalt  }
0x6e: {  	_ =	shalt  }
0x6f: {  	_ =	shalt  }
0x70: {  	_ =	shalt  }
0x71: {  	_ =	shalt  }
0x72: {  	_ =	shalt  }
0x73: {  	_ =	shalt  }
0x74: {  	_ =	shalt  }
0x75: {  	_ =	shalt  }
0x76: {  	_ =	shalt  }
0x77: {  	_ =	shalt  }
0x78: {  	_ =	shalt  }
0x79: {  	_ =	shalt  }
0x7a: {  	_ =	shalt  }
0x7b: {  	_ =	shalt  }
0x7c: {  	_ =	shalt  }
0x7d: {  	_ =	shalt  }
0x7e: {  	_ =	shalt  }
0x7f: {  	_ =	shalt  }
0x80: {  	_ =	shalt  }
0x81: {  	_ =	shalt  }
0x82: {  	_ =	shalt  }
0x83: {  	_ =	shalt  }
0x84: {  	_ =	shalt  }
0x85: {  	_ =	shalt  }
0x86: {  	_ =	shalt  }
0x87: {  	_ =	shalt  }
.Lfunc_end0:
.L_simem_size_0:
called_computation.1_lowered:
.L_overlay_start_0:
0x88: {  	s2 =	sld [smem:$0x3FD9]  }
0x89: {  	s3 =	sld [smem:$0x3FFE];
	_ =	sdelay $0x1  }
0x8a: {  	s1 =	srdreg.scid  }
0x8b: {  	s0 =	sand.u32 $0x1, s1  }
0x8c: {  	s16 =	sshll.u32 s0, $0xA;
	s2 =	sadd.s32 s3, s2  }
0x8d: {  	s2 =	sadd.s32 s2, s16  }
0x8e: {  	[smem:$0x3FBD] =	sst s2  }
0x8f: {  	_ = 	snop  }
0x90: {  	(tm) =	ssettm $0x1  }
0x91: {  	s17 =	sld [smem:$0x3FFB];
	_ =	sdelay $0x3  }
0x92: {  	_ =	strace s17  }
0x93: {  	s2 =	sld [smem:$0x3FFC];
	_ =	sdelay $0x3  }
0x94: {  	_ =	strace s2  }
0x95: {  	s2 =	sld [smem:$0x3FFD];
	_ =	sdelay $0x3  }
0x96: {  	_ =	strace s2  }
0x97: {  	_ =	strace $0x8FFFFFFF  }
0x98: {  	s18 =	sld [smem:$0x3FDB];
	_ =	sdelay $0x1  }
0x99: {  	s19 =	simm.s32 $_scs_section_size  }
0x9a: {  	s4 =	simm.s32 $_size__tile_overlayer_lowered;
	s5 =	simm.s32 $_tile_overlayer_lowered  }
0x9b: {  	s22 =	simm.s32 $0x1BFF;
	s21 =	sshll.u32 s5, $0x1;
	s2 =	sadd.s32 s19, s18  }
0x9c: {  	s6 =	simm.s32 $0x0;
	s20 =	sshll.u32 s4, $0x1;
	s4 =	sadd.s32 s21, s2  }
0x9d: {  	[timem:s6], [sflag:s22] =	dma.local [hbm:s4], s20  }
0x9e: {  	_ =	swait.ge [sflag:s22], s20  }
0x9f: {  	s3 =	ssub.s32 $0x0, s20;
	[sflag:s22] =	ssyncset.done $0x0  }
0xa0: {  	[sflag:s22] =	ssyncadd.s32 s3;
	_ =	sdelay $0x1  }
0xa1: {  	s23 =	simm.s32 $0x1B8B  }
0xa2: {  	_ =	swait.ge [sflag:s23], $0x1  }
0xa3: {  	[sflag:s23] =	ssyncset.done $0x0  }
0xa4: {  	s25 =	simm.s32 $0x1B8E;
	s24 =	sld [smem:$0x3FFE];
	[sflag:s23] =	ssyncadd.s32 $0xFFFFFFFF  }
0xa5: {  	s26 =	simm.s32 $execute0_lowered;
	[smem:$0x3FD2] =	sst s25  }
0xa6: {  	s4 =	sshll.u32 s26, $0x1;
	_ =	strace $0x80000049;
	[dreg:$0x1] =	wrdreg $0xFFFFFFFF  }
0xa7: {  	s28 =	simm.s32 $_size_execute0_lowered;
	s2 =	sadd.s32 s2, s4;
	[dreg:$0x0] =	wrdreg $0x0  }
0xa8: {  	s4 =	sshll.u32 s28, $0x1;
	[dreg:$0x2] =	wrdreg s2  }
0xa9: {  	[dreg:$0x3] =	wrdreg s4  }
0xaa: {  	[dreg:$0x4] =	wrdreg $0xC0  }
0xab: {  	_ =	task [dreg:s6], $0x5FFFF  }
0xac: {  	[dreg:$0x1] =	wrdreg $0xFFFFFFFF  }
0xad: {  	[dreg:$0x0] =	wrdreg $0x60  }
0xae: {  	[dreg:$0x2] =	wrdreg s24  }
0xaf: {  	[dreg:$0x3] =	wrdreg $0x50000  }
0xb0: {  	[dreg:$0x4] =	wrdreg $0x9  }
0xb1: {  	_ =	task.clear_ibuf [dreg:s6], $0x5FFFF;
	_ =	strace $0x90000049  }
0xb2: {  	s29 =	simm.s32 $0x9;
	_ =	strace $0x8000004B  }
0xb3: {  	_ =	swait.ge [sflag:s29], $0x1  }
0xb4: {  	[sflag:s29] =	ssyncadd.s32 $0xFFFFFFFF  }
0xb5: {  	_ =	strace $0x9000004B  }
0xb6: {  	_ =	sfence  }
0xb7: {  	s30 =	sld [smem:$0x0];
	_ =	sdelay $0x2  }
0xb8: {  	s31 =	sshll.u32 s1, $0xD;
	s1 =	sshrl.u32 s1, $0x2  }
0xb9: {  	s3 =	sand.u32 $0x4000, s31;
	s1 =	sadd.s32 s1, s30  }
0xba: {  	s0 =	sor.u32 s3, s0;
	s1 =	sshll.u32 s1, $0x11  }
0xbb: {  	s0 =	sor.u32 s1, s0  }
0xbc: {  	s0 =	sadd.s32 $0x8F2B, s0  }
0xbd: {  	[sflag:s0] =	ssyncadd.remote.s32 $0x1  }
0xbe: {  	_ =	sfence.sel $0xFFFF  }
0xbf: {  	[dreg:$0x0] =	wrdreg $0xFFFFFFFF;
	(pc) =	sbr.abs _section_cstart, $3  }
0xc0: {  	[dreg:$0x1] =	wrdreg $0xFFFFFFFF  }
0xc1: {  	_ =	task.clear_ibuf [dreg:s6], $0x2FFFF;
	_ =	strace $0x9FFFFFFF  }
0xc2: {  	(tm) =	ssettm $0x7FFFFFFF  }
0xc3: {  	_ =	shalt  }
tec
execute0_lowered:
.L_overlay_start_1:
0x0: {  	(tag) =	ssettag $0x1  }
0x1: {  	s8 =	rddreg [dreg:$0x0]  }
0x2: {  	s1 =	rddreg [dreg:$0x1];
	s2 =	srdreg.scid  }
0x3: {  	s0 =	rddreg [dreg:$0x2];
	s3 =	simm.s32 $0x0;
	s16 =	simm.s32 $0x80  }
0x4: {  	s17 =	simm.s32 $0x1000;
	s18 =	simm.s32 $0x1;
	s10 =	sand.u32 $0x1, s2  }
0x5: {  	s2 =	stileid.u32;
	[smem:$0x7FF] =	sst s3;
	s4 =	sadd.s32 $0x2200, s8  }
0x6: {  	s5 =	sadd.s32 $0xAE400, s8;
	s6 =	sadd.s32 $0xA4400, s8;
	s7 =	smul.u32 $0x140000, s10  }
0x7: {  	s9 =	smul.u32 $0x14000, s2;
	_ =	strace $0x8000004A;
	s11 =	ssub.s32 $0x2, s10  }
0x8: {  	s12 =	smul.u32 $0x50000, s2;
	s31 =	sshll.u32 s2, $0x6;
	s29 =	sshrl.u32 s11, $0x1  }
0x9: {  	s10 =	smul.u32 $0x50000, s10;
	s7 =	sadd.s32 s9, s7;
	s14 =	ssub.s32 s11, s29  }
0xa: {  	s30 =	sshrl.u32 s12, $0x2;
	s9 =	sshrl.u32 s7, $0x3;
	s7 =	sadd.s32 $0x51C00, s8  }
0xb: {  	s15 =	sadd.s32 s30, s1;
	s12 =	smax.u32 s14, $0x1;
	s14 =	simm.s32 $0x2  }
0xc: {  	s13 =	sadd.s32 s9, s8;
	s8 =	sor.u32 $0x1C02, s31;
	s9 =	smul.u32 $0x5000, s2  }
0xd: {  	s11 =	sadd.s32 $0x54400, s13;
	s13 =	sshrl.u32 s15, $0x3;
	s15 =	simm.s32 $0x800  }
.LBB2_1:
0xe: {  	[spmem:s13], [sflag:s8] =	dma.local [hbm:s7], $0x2800  }
0xf: {  	_ =	swait.ge [sflag:s14], $0x2800  }
0x10: {  	[sflag:s14] =	ssyncset.done $0x0  }
0x11: {  	[sflag:s14] =	ssyncadd.s32 $0xFFFFD800  }
0x12: {  	s19 =	simm.s32 $0x0;
	[bflag:$0x0] =	sbarrier.arrive $0xFFFF  }
.LBB2_2:
0x13: {  	s20 =	sshll.u32 s19, $0xB  }
0x14: {  	s20 =	sadd.s32 s9, s20  }
0x15: {  	s21 =	sadd.s32 s10, s20  }
0x16: {  	s21 =	sshrl.u32 s21, $0x3  }
0x17: {  	s22 =	simm.s32 $0x0;
	s21 =	sadd.s32 s5, s21  }
0x18: {  	[tilespmem:s22], [sflag:$0x2] =	stream.linear.gather [hbm4b:s21+s22], $0x800, $0x38;
	[tilespmem:$0x19000] =	vst v63  }
0x19: {  	_ =	swait.ge [sflag:s14], $0x800  }
0x1a: {  	s20 =	sshrl.u32 s20, $0x3;
	[sflag:s14] =	ssyncset.done $0x0  }
0x1b: {  	s20 =	sadd.s32 s6, s20;
	[sflag:s14] =	ssyncadd.s32 $0xFFFFF800  }
0x1c: {  	[tilespmem:s15], [sflag:$0x2] =	stream.linear.gather [hbm4b:s20+s22], $0x800, $0x38;
	[tilespmem:$0x19000] =	vst v63  }
0x1d: {  	_ =	swait.ge [sflag:s14], $0x800  }
0x1e: {  	[sflag:s14] =	ssyncset.done $0x0  }
0x1f: {  	s30 =	simm.s32 $0x0;
	[sflag:s14] =	ssyncadd.s32 $0xFFFFF800  }
0x20: {  	[tilespmem:s17], [sflag:$0x1] =	stream.indirect.gather [hbm4b:s4+s16], $0x80, s30, s16, $0xb8;
	[tilespmem:$0x19000] =	vst v63  }
0x21: {  	_ =	swait.ge [sflag:s18], $0x4000  }
0x22: {  	[sflag:s18] =	ssyncset.done $0x0  }
0x23: {  	s31 =	simm.s32 $0x800;
	[sflag:s18] =	ssyncadd.s32 $0xFFFFC000  }
0x24: {  	[spmem:s1] =	stream.indirect.scatter.add.f32 [tilespmem:s17], [sflag:$0x2], $0x80, s31, s16, $0xb8;
	[tilespmem:$0x19000] =	vst v63  }
0x25: {  	_ =	swait.ge [sflag:s14], $0x4000  }
0x26: {  	s21 =	simm.s32 $0x400;
	s20 =	simm.s32 $0x200;
	[sflag:s14] =	ssyncset.done $0x0  }
.LBB2_3:
0x27: {  	s22 =	sshra.s32 s20, $0x2  }
0x28: {  	[sflag:s14] =	ssyncadd.s32 $0xFFFFC000;
	s20 =	smov.u32 s21;
	s23 =	sadd.s32 $0x200, s21  }
0x29: {  	[tilespmem:s17], [sflag:$0x1] =	stream.indirect.gather [hbm4b:s4+s16], $0x80, s22, s16, $0xb8;
	[tilespmem:$0x19000] =	vst v63  }
0x2a: {  	p0 =	sne.s32 s21, $0x1E00;
	_ =	swait.ge [sflag:s18], $0x4000  }
.Ltmp0:
0x2b: {  	[sflag:s18] =	ssyncset.done $0x0;
	(pc) =	sbr.rel @p0 .LBB2_3-.Ltmp0, $4  }
0x2c: {  	s21 =	sadd.s32 $0x800, s22;
	[sflag:s18] =	ssyncadd.s32 $0xFFFFC000  }
0x2d: {  	[spmem:s1] =	stream.indirect.scatter.add.f32 [tilespmem:s17], [sflag:$0x2], $0x80, s21, s16, $0xb8;
	[tilespmem:$0x19000] =	vst v63  }
0x2e: {  	_ =	swait.ge [sflag:s14], $0x4000  }
0x2f: {  	s21 =	smov.u32 s23;
	[sflag:s14] =	ssyncset.done $0x0  }
0x30: {  	s20 =	sshra.s32 s20, $0x2;
	[sflag:s14] =	ssyncadd.s32 $0xFFFFC000  }
0x31: {  	[tilespmem:s17], [sflag:$0x1] =	stream.indirect.gather [hbm4b:s4+s16], $0x80, s20, s16, $0xb8;
	[tilespmem:$0x19000] =	vst v63  }
0x32: {  	s19 =	sadd.s32 $0x1, s19;
	_ =	swait.ge [sflag:s18], $0x4000  }
0x33: {  	p0 =	sne.s32 s19, $0xA;
	[sflag:s18] =	ssyncset.done $0x0  }
.Ltmp1:
0x34: {  	s20 =	sadd.s32 $0x800, s20;
	[sflag:s18] =	ssyncadd.s32 $0xFFFFC000;
	(pc) =	sbr.rel @p0 .LBB2_2-.Ltmp1, $4  }
0x35: {  	[spmem:s1] =	stream.indirect.scatter.add.f32 [tilespmem:s17], [sflag:$0x2], $0x80, s20, s16, $0xb8;
	[tilespmem:$0x19000] =	vst v63  }
0x36: {  	_ =	swait.ge [sflag:s14], $0x4000  }
0x37: {  	[sflag:s14] =	ssyncset.done $0x0  }
0x38: {  	[sflag:s14] =	ssyncadd.s32 $0xFFFFC000  }
0x39: {  	s3 =	sadd.s32 $0x1, s3  }
0x3a: {  	p0 =	sne.s32 s3, s12  }
.Ltmp2:
0x3b: {  	[bflag:$0x0] =	sbarrier.arrive $0xFFFF;
	(pc) =	sbr.rel @p0 .LBB2_1-.Ltmp2, $4  }
0x3c: {  	[hbm:s11], [sflag:s8] =	dma.local [spmem:s13], $0x2800  }
0x3d: {  	_ =	swait.ge [sflag:s14], $0x2800  }
0x3e: {  	[sflag:s14] =	ssyncset.done $0x0  }
0x3f: {  	[sflag:s14] =	ssyncadd.s32 $0xFFFFD800  }
0x40: {  	_ =	sfence.sel $0x180000  }
0x41: {  	[bflag:$0x0] =	sbarrier.arrive $0xFFFF  }
0x42: {  	p0 =	sne.s32 s2, $0x0;
	_ =	strace $0x9000004A  }
0x43: {  	s0 =	sadd.s32 @!p0 $0x100000, s0;
	[bflag:$0x2] =	sbarrier.arrive $0xFFFF  }
0x44: {  	[sflag:s0] =	ssyncadd.tile.s32 @!p0 $0x1;
	_ =	shalt  }
.Lfunc_end2:
_tile_overlayer_lowered:
.L_overlay_start_2:
0x45: {  	(tag) =	ssettag $0x2  }
0x46: {  	s0 =	rddreg [dreg:$0x0];
	s2 =	stileid.u32  }
0x47: {  	s1 =	rddreg [dreg:$0x1];
	p0 =	sne.s32 s2, $0x0  }
0x48: {  	s3 =	rddreg [dreg:$0x2];
	[bflag:$0x3] =	sbarrier.arrive $0xFFFF;
	s2 =	simm.s32 @!p0 $0x1C02  }
0x49: {  	[timem:s3], [sflag:s2] =	dma.local @!p0 [hbm:s0], s1  }
0x4a: {  	s0 =	simm.s32 @!p0 $0x2  }
0x4b: {  	_ =	swait.ge @!p0 [sflag:s0], s1  }
0x4c: {  	s1 =	ssub.s32 @!p0 $0x0, s1;
	[sflag:s0] =	ssyncset.done @!p0 $0x0  }
0x4d: {  	[sflag:s0] =	ssyncadd.s32 @!p0 s1  }
0x4e: {  	[bflag:$0x3] =	sbarrier.arrive $0xFFFF  }
0x4f: {  	_ =	shalt  }

// kernel: kernel.13.cloned.1.call-start
scs
__scs_entry_jumppad:
0x0: {  	(pc) =	sbr.rel $0x88, $3  }
0x1: {  	(tag) =	ssettag $0x0;
	lr =	simm.s32 $0x1  }
0x2: {  	[smem:$0x3F96] =	sst lr;
	_ =	strace $0xD0000000  }
0x3: {  	_ = 	snop  }
0x4: {  	_ = 	snop  }
0x5: {  	_ = 	snop  }
0x6: {  	_ = 	snop  }
0x7: {  	_ = 	snop  }
__scs_overlays_trampoline_lowered:
0x8: {  	[smem:$0x3FA5] =	sst s0  }
0x9: {  	[smem:$0x3FA6] =	sst s1  }
0xa: {  	[smem:$0x3FA7] =	sst s2  }
0xb: {  	[smem:$0x3FA8] =	sst s3  }
0xc: {  	[smem:$0x3FA9] =	sst s4  }
0xd: {  	[smem:$0x3FAA] =	sst s5  }
0xe: {  	[smem:$0x3FAB] =	sst s6  }
0xf: {  	[smem:$0x3FAC] =	sst s7  }
0x10: {  	[smem:$0x3FAD] =	sst s8  }
0x11: {  	[smem:$0x3FAE] =	sst s9;
	s0 =	simm.s32 @!p0 $0x0  }
0x12: {  	s1 =	sld [smem:$0x3F94];
	s0 =	simm.s32 @p0 $0x1  }
0x13: {  	[smem:$0x3FAF] =	sst s0;
	s0 =	simm.s32 @!p1 $0x0  }
0x14: {  	s2 =	sld [smem:$0x3F93];
	s0 =	simm.s32 @p1 $0x1  }
0x15: {  	[smem:$0x3FB0] =	sst s0;
	s0 =	simm.s32 @!p2 $0x0  }
0x16: {  	s3 =	sld [smem:$0x3FDB];
	s0 =	simm.s32 @p2 $0x1  }
0x17: {  	s4 =	simm.s32 $0x1BF5;
	[smem:$0x3FB2] =	sst s0  }
0x18: {  	s0 =	sld [smem:$0x3F95];
	_ =	swait.ge [sflag:s4], $0x0  }
0x19: {  	s7 =	sld [smem:$0x3F96]  }
0x1a: {  	s8 =	sadd.s32 $0xFFFFE003, lr  }
0x1b: {  	s9 =	sadd.s32 $0xFFFFFEF7, lr;
	s5 =	simm.s32 $0xFFFFFFFF;
	p2 =	slt.u32 s8, $0xFFFFF086  }
0x1c: {  	p1 =	slt.u32 s9, $0xF7A;
	s5 =	simm.s32 @!p2 $0x0  }
0x1d: {  	s5 =	simm.s32 @p1 $0x1;
	p0 =	seq.s32 s7, s2  }
0x1e: {  	s7 =	smul.u32 @!p0 $0xF7A, s2;
	p2 =	seq.s32 @!p0 s5, $0x0  }
0x1f: {  	s9 =	smul.u32 $0xF7A, s1;
	s8 =	simm.s32 @!p0 $0x1BF5;
	p2 =	por !p2, p0  }
0x20: {  	[sflag:s8] =	ssyncset.s32 @!p0 $0xFFFFF086;
	s6 =	sadd.s32 @!p0 s3, s7;
	s7 =	simm.s32 @!p0 $0x108  }
0x21: {  	s3 =	sadd.s32 s3, s9;
	s6 =	sadd.s32 @!p0 $0x88, s6;
	s7 =	simm.s32 @p2 $0x1082  }
0x22: {  	[simem:s7], [sflag:s8] =	dma.local @!p0 [hbm:s6], $0xF7A  }
0x23: {  	s9 =	sor.u32 $0xD0000000, s2;
	s6 =	simm.s32 $0x108;
	_ =	swait.ge @!p0 [sflag:s8], $0x0  }
0x24: {  	s3 =	sadd.s32 $0x88, s3;
	s6 =	simm.s32 @!p1 $0x1082;
	[sflag:s4] =	ssyncset.s32 $0xFFFFF086  }
0x25: {  	[simem:s6], [sflag:s4] =	dma.local [hbm:s3], $0xF7A  }
0x26: {  	[smem:$0x3F96] =	sst s1;
	(tag) =	ssettag s2;
	_ =	strace s9  }
0x27: {  	s1 =	sld [smem:$0x3FA6]  }
0x28: {  	s2 =	sld [smem:$0x3FA7]  }
0x29: {  	s4 =	sld [smem:$0x3FA9]  }
0x2a: {  	p0 =	seq.s32 s5, $0x0;
	s5 =	sld [smem:$0x3FAA]  }
0x2b: {  	s6 =	sld [smem:$0x3FAB]  }
0x2c: {  	s7 =	sld [smem:$0x3FAC]  }
0x2d: {  	s3 =	simm.s32 $0x108;
	s8 =	sld [smem:$0x3FAD]  }
0x2e: {  	s3 =	simm.s32 @!p0 $0x1082;
	s9 =	sld [smem:$0x3FAE]  }
0x2f: {  	lr =	sadd.s32 s0, s3;
	s0 =	sld [smem:$0x3FA5]  }
0x30: {  	s3 =	sld [smem:$0x3FA8]  }
0x31: {  	[smem:$0x3FB1] =	sst s10  }
0x32: {  	s10 =	sld [smem:$0x3FAF];
	_ =	sdelay $0x3  }
0x33: {  	p0 =	seq.s32 s10, $0x1;
	s10 =	sld [smem:$0x3FB1];
	_ =	sdelay $0x3  }
0x34: {  	[smem:$0x3FB1] =	sst s10  }
0x35: {  	s10 =	sld [smem:$0x3FB0];
	_ =	sdelay $0x3  }
0x36: {  	p1 =	seq.s32 s10, $0x1;
	s10 =	sld [smem:$0x3FB1];
	_ =	sdelay $0x3  }
0x37: {  	[smem:$0x3FB1] =	sst s10  }
0x38: {  	s10 =	sld [smem:$0x3FB2]  }
0x39: {  	_ = 	snop;
	(pc) =	sbr.ind lr, $3  }
0x3a: {  	_ = 	snop  }
0x3b: {  	_ = 	snop  }
0x3c: {  	p2 =	seq.s32 s10, $0x1;
	s10 =	sld [smem:$0x3FB1]  }
0x3d: {  	_ =	shalt  }
0x3e: {  	_ =	shalt  }
0x3f: {  	_ =	shalt  }
0x40: {  	_ =	shalt  }
0x41: {  	_ =	shalt  }
0x42: {  	_ =	shalt  }
0x43: {  	_ =	shalt  }
0x44: {  	_ =	shalt  }
0x45: {  	_ =	shalt  }
0x46: {  	_ =	shalt  }
0x47: {  	_ =	shalt  }
0x48: {  	_ =	shalt  }
0x49: {  	_ =	shalt  }
0x4a: {  	_ =	shalt  }
0x4b: {  	_ =	shalt  }
0x4c: {  	_ =	shalt  }
0x4d: {  	_ =	shalt  }
0x4e: {  	_ =	shalt  }
0x4f: {  	_ =	shalt  }
0x50: {  	_ =	shalt  }
0x51: {  	_ =	shalt  }
0x52: {  	_ =	shalt  }
0x53: {  	_ =	shalt  }
0x54: {  	_ =	shalt  }
0x55: {  	_ =	shalt  }
0x56: {  	_ =	shalt  }
0x57: {  	_ =	shalt  }
0x58: {  	_ =	shalt  }
0x59: {  	_ =	shalt  }
0x5a: {  	_ =	shalt  }
0x5b: {  	_ =	shalt  }
0x5c: {  	_ =	shalt  }
0x5d: {  	_ =	shalt  }
0x5e: {  	_ =	shalt  }
0x5f: {  	_ =	shalt  }
0x60: {  	_ =	shalt  }
0x61: {  	_ =	shalt  }
0x62: {  	_ =	shalt  }
0x63: {  	_ =	shalt  }
0x64: {  	_ =	shalt  }
0x65: {  	_ =	shalt  }
0x66: {  	_ =	shalt  }
0x67: {  	_ =	shalt  }
0x68: {  	_ =	shalt  }
0x69: {  	_ =	shalt  }
0x6a: {  	_ =	shalt  }
0x6b: {  	_ =	shalt  }
0x6c: {  	_ =	shalt  }
0x6d: {  	_ =	shalt  }
0x6e: {  	_ =	shalt  }
0x6f: {  	_ =	shalt  }
0x70: {  	_ =	shalt  }
0x71: {  	_ =	shalt  }
0x72: {  	_ =	shalt  }
0x73: {  	_ =	shalt  }
0x74: {  	_ =	shalt  }
0x75: {  	_ =	shalt  }
0x76: {  	_ =	shalt  }
0x77: {  	_ =	shalt  }
0x78: {  	_ =	shalt  }
0x79: {  	_ =	shalt  }
0x7a: {  	_ =	shalt  }
0x7b: {  	_ =	shalt  }
0x7c: {  	_ =	shalt  }
0x7d: {  	_ =	shalt  }
0x7e: {  	_ =	shalt  }
0x7f: {  	_ =	shalt  }
0x80: {  	_ =	shalt  }
0x81: {  	_ =	shalt  }
0x82: {  	_ =	shalt  }
0x83: {  	_ =	shalt  }
0x84: {  	_ =	shalt  }
0x85: {  	_ =	shalt  }
0x86: {  	_ =	shalt  }
0x87: {  	_ =	shalt  }
.Lfunc_end0:
.L_simem_size_0:
called_computation.2_lowered:
.L_overlay_start_0:
0x88: {  	s2 =	sld [smem:$0x3FD9]  }
0x89: {  	s3 =	sld [smem:$0x3FFE];
	_ =	sdelay $0x1  }
0x8a: {  	s1 =	srdreg.scid  }
0x8b: {  	s0 =	sand.u32 $0x1, s1  }
0x8c: {  	s17 =	sshll.u32 s0, $0xA;
	s2 =	sadd.s32 s3, s2  }
0x8d: {  	s2 =	sadd.s32 s2, s17  }
0x8e: {  	[smem:$0x3FBD] =	sst s2  }
0x8f: {  	_ = 	snop  }
0x90: {  	s2 =	sld [smem:$0x3FD0];
	(tm) =	ssettm $0x1  }
0x91: {  	s18 =	sld [smem:$0x3FFB];
	_ =	sdelay $0x3  }
0x92: {  	_ =	strace s18  }
0x93: {  	s3 =	sld [smem:$0x3FFC];
	_ =	sdelay $0x3  }
0x94: {  	_ =	strace s3  }
0x95: {  	s3 =	sld [smem:$0x3FFD];
	_ =	sdelay $0x3  }
0x96: {  	_ =	strace s3  }
0x97: {  	_ =	strace $0x8FFFFFFF  }
0x98: {  	s19 =	sld [smem:$0x3FDB];
	_ =	sdelay $0x1  }
0x99: {  	s4 =	simm.s32 $_scs_section_size  }
0x9a: {  	s5 =	simm.s32 $_size__tile_overlayer_lowered;
	s6 =	simm.s32 $_tile_overlayer_lowered  }
0x9b: {  	s22 =	simm.s32 $0x1BFF;
	s21 =	sshll.u32 s6, $0x1;
	s3 =	sadd.s32 s4, s19  }
0x9c: {  	s7 =	simm.s32 $0x0;
	s20 =	sshll.u32 s5, $0x1;
	s5 =	sadd.s32 s21, s3  }
0x9d: {  	[timem:s7], [sflag:s22] =	dma.local [hbm:s5], s20  }
0x9e: {  	_ =	swait.ge [sflag:s22], s20  }
0x9f: {  	s4 =	ssub.s32 $0x0, s20;
	[sflag:s22] =	ssyncset.done $0x0  }
0xa0: {  	[sflag:s22] =	ssyncadd.s32 s4;
	_ =	sdelay $0x1  }
0xa1: {  	s23 =	simm.s32 $0x1B8B  }
0xa2: {  	_ =	swait.ge [sflag:s23], $0x1  }
0xa3: {  	[sflag:s23] =	ssyncset.done $0x0  }
0xa4: {  	s25 =	simm.s32 $0x1B8E;
	s24 =	sld [smem:$0x3FFE];
	[sflag:s23] =	ssyncadd.s32 $0xFFFFFFFF  }
0xa5: {  	s26 =	simm.s32 $execute0_lowered;
	[smem:$0x3FD2] =	sst s25  }
0xa6: {  	s5 =	sshll.u32 s26, $0x1;
	_ =	strace $0x8000004C;
	[dreg:$0x1] =	wrdreg $0xFFFFFFFF  }
0xa7: {  	s28 =	simm.s32 $_size_execute0_lowered;
	s3 =	sadd.s32 s3, s5;
	[dreg:$0x0] =	wrdreg $0x0  }
0xa8: {  	s5 =	sshll.u32 s28, $0x1;
	[dreg:$0x2] =	wrdreg s3  }
0xa9: {  	[dreg:$0x3] =	wrdreg s5  }
0xaa: {  	[dreg:$0x4] =	wrdreg $0xC0  }
0xab: {  	_ =	task [dreg:s7], $0x5FFFF  }
0xac: {  	[dreg:$0x1] =	wrdreg $0xFFFFFFFF  }
0xad: {  	[dreg:$0x0] =	wrdreg $0x60  }
0xae: {  	[dreg:$0x2] =	wrdreg s24  }
0xaf: {  	[dreg:$0x3] =	wrdreg s2  }
0xb0: {  	[dreg:$0x4] =	wrdreg $0x9  }
0xb1: {  	_ =	task.clear_ibuf [dreg:s7], $0x5FFFF;
	_ =	strace $0x9000004C  }
0xb2: {  	s29 =	simm.s32 $0x9;
	_ =	strace $0x8000004E  }
0xb3: {  	_ =	swait.ge [sflag:s29], $0x1  }
0xb4: {  	[sflag:s29] =	ssyncadd.s32 $0xFFFFFFFF  }
0xb5: {  	_ =	strace $0x9000004E  }
0xb6: {  	_ =	sfence  }
0xb7: {  	s30 =	sld [smem:$0x0];
	_ =	sdelay $0x2  }
0xb8: {  	s31 =	sshll.u32 s1, $0xD;
	s1 =	sshrl.u32 s1, $0x2  }
0xb9: {  	s3 =	sand.u32 $0x4000, s31;
	s1 =	sadd.s32 s1, s30  }
0xba: {  	s0 =	sor.u32 s3, s0;
	s1 =	sshll.u32 s1, $0x11  }
0xbb: {  	s0 =	sor.u32 s1, s0  }
0xbc: {  	s0 =	sadd.s32 $0x8F2B, s0  }
0xbd: {  	[sflag:s0] =	ssyncadd.remote.s32 $0x1  }
0xbe: {  	_ =	sfence.sel $0xFFFF  }
0xbf: {  	[dreg:$0x0] =	wrdreg $0xFFFFFFFF;
	(pc) =	sbr.abs _section_cstart, $3  }
0xc0: {  	[dreg:$0x1] =	wrdreg $0xFFFFFFFF  }
0xc1: {  	_ =	task.clear_ibuf [dreg:s7], $0x2FFFF;
	_ =	strace $0x9FFFFFFF  }
0xc2: {  	(tm) =	ssettm $0x7FFFFFFF  }
0xc3: {  	_ =	shalt  }
tec
execute0_lowered:
.L_overlay_start_1:
0x0: {  	(tag) =	ssettag $0x1  }
0x1: {  	s5 =	rddreg [dreg:$0x0]  }
0x2: {  	s6 =	rddreg [dreg:$0x1];
	s1 =	srdreg.scid  }
0x3: {  	s0 =	rddreg [dreg:$0x2];
	s2 =	simm.s32 $0x0;
	s12 =	simm.s32 $0x2000  }
0x4: {  	s13 =	simm.s32 $0x6000;
	s14 =	simm.s32 $0x1;
	s15 =	simm.s32 $0x2  }
0x5: {  	s16 =	simm.s32 $0xA000;
	s17 =	simm.s32 $0x0;
	s7 =	sand.u32 $0x1, s1  }
0x6: {  	[smem:$0x7FF] =	sst s2;
	s1 =	stileid.u32;
	s3 =	sadd.s32 $0x2200, s5  }
0x7: {  	s4 =	sshll.u32 s7, $0x4;
	_ =	strace $0x8000004D;
	s7 =	ssub.s32 $0x2, s7  }
0x8: {  	s8 =	sor.u32 s1, s4;
	s4 =	sadd.s32 $0x29400, s5;
	s11 =	sshrl.u32 s7, $0x1  }
0x9: {  	s9 =	sshll.u32 s8, $0x9;
	s8 =	sshll.u32 s8, $0x10;
	s11 =	ssub.s32 s7, s11  }
0xa: {  	s10 =	sadd.s32 s9, s5;
	s8 =	sadd.s32 s8, s5;
	s6 =	sadd.s32 s6, s9  }
0xb: {  	s9 =	simm.s32 $0x3;
	s5 =	sadd.s32 $0xC2400, s10;
	s7 =	sadd.s32 $0xC6400, s8  }
0xc: {  	s8 =	smax.u32 s11, $0x1;
	s10 =	simm.s32 $0x1000;
	s11 =	simm.s32 $0x80  }
.LBB2_1:
0xd: {  	[tilespmem:s2], [sflag:$0x3] =	stream.linear.gather [hbm4b:s5+s2], $0x1000, $0x38;
	[tilespmem:$0xE000] =	vst v63  }
0xe: {  	_ =	swait.ge [sflag:s9], $0x1000  }
0xf: {  	[sflag:s9] =	ssyncset.done $0x0  }
0x10: {  	[sflag:s9] =	ssyncadd.s32 $0xFFFFF000  }
0x11: {  	[tilespmem:s10], [sflag:$0x3] =	stream.linear.gather [hbm4b:s6+s2], $0x1000, $0x38;
	[tilespmem:$0xE000] =	vst v63  }
0x12: {  	_ =	swait.ge [sflag:s9], $0x1000  }
0x13: {  	[sflag:s9] =	ssyncset.done $0x0  }
0x14: {  	s18 =	simm.s32 $0x0;
	[sflag:s9] =	ssyncadd.s32 $0xFFFFF000  }
.LBB2_2:
0x15: {  	s19 =	sshll.u32 s18, $0x7  }
0x16: {  	[tilespmem:s12], [sflag:$0x1] =	stream.indirect.gather [hbm4b:s3+s11], $0x80, s19, s11, $0xb8;
	[tilespmem:$0xE000] =	vst v63  }
0x17: {  	s19 =	sadd.s32 $0x1000, s19  }
0x18: {  	[tilespmem:s13], [sflag:$0x2] =	stream.indirect.gather [hbm4b:s4+s11], $0x80, s19, s11, $0xb8;
	[tilespmem:$0xE000] =	vst v63  }
0x19: {  	_ =	swait.ge [sflag:s14], $0x4000  }
0x1a: {  	[sflag:s14] =	ssyncset.done $0x0  }
0x1b: {  	[sflag:s14] =	ssyncadd.s32 $0xFFFFC000  }
0x1c: {  	_ =	swait.ge [sflag:s15], $0x4000  }
0x1d: {  	[sflag:s15] =	ssyncset.done $0x0  }
0x1e: {  	s19 =	simm.s32 $0x0;
	[sflag:s15] =	ssyncadd.s32 $0xFFFFC000  }
0x1f: {  	v0 =	vld [tilespmem:s19+$0x2000]  }
0x20: {  	v1 =	vld [tilespmem:s19+$0x6000];
	_ =	sdelay $0x4  }
0x21: {  	s20 =	simm.s32 $0x80;
	v0 =	vadd.f32 v1, v0  }
0x22: {  	v2 =	vld [tilespmem:s20+$0x6000]  }
0x23: {  	v1 =	vld [tilespmem:s20+$0x2000];
	v0 =	vsub.f32 $0.0e+00, v0;
	_ =	sdelay $0x1  }
0x24: {  	s21 =	simm.s32 $0x100;
	v0 =	vmul.f32 $1.442695020e+00, v0  }
0x25: {  	v3 =	vld [tilespmem:s21+$0x2000]  }
0x26: {  	(erf) = vpow2.f32 v0;
	v0 =	vld [tilespmem:s21+$0x6000]  }
0x27: {  	v1 =	vadd.f32 v2, v1;
	_ =	sdelay $0x1  }
0x28: {  	v1 =	vsub.f32 $0.0e+00, v1;
	_ =	sdelay $0x1  }
0x29: {  	s22 =	simm.s32 $0x180;
	v1 =	vmul.f32 $1.442695020e+00, v1;
	v0 =	vadd.f32 v0, v3  }
0x2a: {  	v2 =	vld [tilespmem:s22+$0x2000]  }
0x2b: {  	(erf) = vpow2.f32 v1;
	v1 =	vld [tilespmem:s22+$0x6000];
	v0 =	vsub.f32 $0.0e+00, v0;
	_ =	sdelay $0x1  }
0x2c: {  	v3 =	vpop (erf);
	v0 =	vmul.f32 $1.442695020e+00, v0  }
0x2d: {  	s23 =	simm.s32 $0x200;
	v3 =	vadd.f32 $1.000000000e+00, v3  }
0x2e: {  	v4 =	vld [tilespmem:s23+$0x2000];
	(erf) = vpow2.f32 v0  }
0x2f: {  	v1 =	vadd.f32 v1, v2;
	v0 =	vld [tilespmem:s23+$0x6000];
	(erf) = vrcp.f32 v3;
	_ =	sdelay $0x1  }
0x30: {  	v1 =	vsub.f32 $0.0e+00, v1;
	_ =	sdelay $0x1  }
0x31: {  	v2 =	vpop (erf);
	v1 =	vmul.f32 $1.442695020e+00, v1  }
0x32: {  	s24 =	simm.s32 $0x280;
	v2 =	vadd.f32 $1.000000000e+00, v2;
	v0 =	vadd.f32 v0, v4  }
0x33: {  	(erf) = vpow2.f32 v1;
	v1 =	vld [tilespmem:s24+$0x6000]  }
0x34: {  	(erf) = vrcp.f32 v2;
	v3 =	vsub.f32 $0.0e+00, v0;
	v0 =	vld [tilespmem:s24+$0x2000]  }
0x35: {  	v4 =	vpop (erf)  }
0x36: {  	s25 =	simm.s32 $0xC00;
	v3 =	vmul.f32 $1.442695020e+00, v3;
	v2 =	vpop (erf)  }
.LBB2_3:
0x37: {  	s26 =	sshra.s32 s25, $0x2  }
0x38: {  	v4 =	vadd.f32 $1.000000000e+00, v4;
	[tilespmem:s19+$0xA000] =	vst v2;
	s19 =	smov.u32 s20;
	s20 =	smov.u32 s21;
	p0 =	sne.s32 s25, $0xFE00  }
.Ltmp0:
0x39: {  	s21 =	smov.u32 s22;
	s22 =	smov.u32 s23;
	v2 =	vadd.f32 v1, v0;
	v0 =	vld [tilespmem:s26+$0x2000];
	(erf) = vpow2.f32 v3;
	(pc) =	sbr.rel @p0 .LBB2_3-.Ltmp0, $4  }
0x3a: {  	s25 =	sadd.s32 $0x200, s25;
	s23 =	smov.u32 s24;
	v1 =	vld [tilespmem:s26+$0x6000];
	(erf) = vrcp.f32 v4  }
0x3b: {  	s24 =	smov.u32 s26;
	v5 =	vsub.f32 $0.0e+00, v2  }
0x3c: {  	v4 =	vpop (erf)  }
0x3d: {  	v3 =	vmul.f32 $1.442695020e+00, v5;
	v2 =	vpop (erf)  }
0x3e: {  	_ = 	snop  }
0x3f: {  	v0 =	vadd.f32 v1, v0;
	_ =	sdelay $0x1  }
0x40: {  	v0 =	vsub.f32 $0.0e+00, v0  }
0x41: {  	v56 =	vadd.f32 $1.000000000e+00, v4  }
0x42: {  	(erf) = vpow2.f32 v3;
	v0 =	vmul.f32 $1.442695020e+00, v0  }
0x43: {  	(erf) = vrcp.f32 v56  }
0x44: {  	(erf) = vpow2.f32 v0;
	_ =	sdelay $0x4  }
0x45: {  	v57 =	vpop (erf)  }
0x46: {  	v58 =	vpop (erf)  }
0x47: {  	v3 =	vpop (erf)  }
0x48: {  	v0 =	vadd.f32 $1.000000000e+00, v57;
	v59 =	vpop (erf)  }
0x49: {  	v3 =	vadd.f32 $1.000000000e+00, v3;
	v5 =	vpop (erf)  }
0x4a: {  	(erf) = vrcp.f32 v0;
	v60 =	vadd.f32 $1.000000000e+00, v5  }
0x4b: {  	(erf) = vrcp.f32 v3  }
0x4c: {  	(erf) = vrcp.f32 v60;
	_ =	sdelay $0x4  }
0x4d: {  	[tilespmem:s19+$0xA000] =	vst v2  }
0x4e: {  	[tilespmem:s20+$0xA000] =	vst v58  }
0x4f: {  	[tilespmem:s21+$0xA000] =	vst v59;
	v61 =	vpop (erf)  }
0x50: {  	s31 =	sshll.u32 s18, $0xB;
	s18 =	sadd.s32 $0x1, s18;
	[tilespmem:s22+$0xA000] =	vst v61;
	v62 =	vpop (erf)  }
0x51: {  	p0 =	sne.s32 s18, $0x20;
	[tilespmem:s23+$0xA000] =	vst v62;
	v63 =	vpop (erf)  }
.Ltmp1:
0x52: {  	s19 =	sadd.s32 s31, s7;
	[tilespmem:s24+$0xA000] =	vst v63;
	(pc) =	sbr.rel @p0 .LBB2_2-.Ltmp1, $4  }
0x53: {  	[hbm4b:s19+s2] =	stream.linear.scatter [tilespmem:s16], [sflag:$0x3], $0x4000, $0x38;
	[tilespmem:$0xE000] =	vst v63  }
0x54: {  	_ =	swait.ge [sflag:s9], $0x4000  }
0x55: {  	[sflag:s9] =	ssyncset.done $0x0  }
0x56: {  	[sflag:s9] =	ssyncadd.s32 $0xFFFFC000  }
0x57: {  	s17 =	sadd.s32 $0x1, s17  }
0x58: {  	p0 =	sne.s32 s17, s8  }
.Ltmp2:
0x59: {  	_ = 	snop;
	(pc) =	sbr.rel @p0 .LBB2_1-.Ltmp2, $1  }
0x5a: {  	_ =	sdelay $0x3  }
0x5b: {  	_ =	sfence.sel $0x180000  }
0x5c: {  	[bflag:$0x0] =	sbarrier.arrive $0xFFFF  }
0x5d: {  	p0 =	sne.s32 s1, $0x0;
	_ =	strace $0x9000004D  }
0x5e: {  	s0 =	sadd.s32 @!p0 $0x100000, s0;
	[bflag:$0x2] =	sbarrier.arrive $0xFFFF  }
0x5f: {  	[sflag:s0] =	ssyncadd.tile.s32 @!p0 $0x1;
	_ =	shalt  }
.Lfunc_end2:
_tile_overlayer_lowered:
.L_overlay_start_2:
0x60: {  	(tag) =	ssettag $0x2  }
0x61: {  	s0 =	rddreg [dreg:$0x0];
	s2 =	stileid.u32  }
0x62: {  	s1 =	rddreg [dreg:$0x1];
	p0 =	sne.s32 s2, $0x0  }
0x63: {  	s3 =	rddreg [dreg:$0x2];
	[bflag:$0x3] =	sbarrier.arrive $0xFFFF;
	s2 =	simm.s32 @!p0 $0x1C03  }
0x64: {  	[timem:s3], [sflag:s2] =	dma.local @!p0 [hbm:s0], s1  }
0x65: {  	s0 =	simm.s32 @!p0 $0x3  }
0x66: {  	_ =	swait.ge @!p0 [sflag:s0], s1  }
0x67: {  	s1 =	ssub.s32 @!p0 $0x0, s1;
	[sflag:s0] =	ssyncset.done @!p0 $0x0  }
0x68: {  	[sflag:s0] =	ssyncadd.s32 @!p0 s1  }
0x69: {  	[bflag:$0x3] =	sbarrier.arrive $0xFFFF  }
0x6a: {  	_ =	shalt  }

// kernel: kernel.7.cloned.1.call-start
scs
__scs_entry_jumppad:
0x0: {  	(pc) =	sbr.rel $0x88, $3  }
0x1: {  	(tag) =	ssettag $0x0;
	lr =	simm.s32 $0x1  }
0x2: {  	[smem:$0x3F96] =	sst lr;
	_ =	strace $0xD0000000  }
0x3: {  	_ = 	snop  }
0x4: {  	_ = 	snop  }
0x5: {  	_ = 	snop  }
0x6: {  	_ = 	snop  }
0x7: {  	_ = 	snop  }
__scs_overlays_trampoline_lowered:
0x8: {  	[smem:$0x3FA5] =	sst s0  }
0x9: {  	[smem:$0x3FA6] =	sst s1  }
0xa: {  	[smem:$0x3FA7] =	sst s2  }
0xb: {  	[smem:$0x3FA8] =	sst s3  }
0xc: {  	[smem:$0x3FA9] =	sst s4  }
0xd: {  	[smem:$0x3FAA] =	sst s5  }
0xe: {  	[smem:$0x3FAB] =	sst s6  }
0xf: {  	[smem:$0x3FAC] =	sst s7  }
0x10: {  	[smem:$0x3FAD] =	sst s8  }
0x11: {  	[smem:$0x3FAE] =	sst s9;
	s0 =	simm.s32 @!p0 $0x0  }
0x12: {  	s1 =	sld [smem:$0x3F94];
	s0 =	simm.s32 @p0 $0x1  }
0x13: {  	[smem:$0x3FAF] =	sst s0;
	s0 =	simm.s32 @!p1 $0x0  }
0x14: {  	s2 =	sld [smem:$0x3F93];
	s0 =	simm.s32 @p1 $0x1  }
0x15: {  	[smem:$0x3FB0] =	sst s0;
	s0 =	simm.s32 @!p2 $0x0  }
0x16: {  	s3 =	sld [smem:$0x3FDB];
	s0 =	simm.s32 @p2 $0x1  }
0x17: {  	s4 =	simm.s32 $0x1BF5;
	[smem:$0x3FB2] =	sst s0  }
0x18: {  	s0 =	sld [smem:$0x3F95];
	_ =	swait.ge [sflag:s4], $0x0  }
0x19: {  	s7 =	sld [smem:$0x3F96]  }
0x1a: {  	s8 =	sadd.s32 $0xFFFFE003, lr  }
0x1b: {  	s9 =	sadd.s32 $0xFFFFFEF7, lr;
	s5 =	simm.s32 $0xFFFFFFFF;
	p2 =	slt.u32 s8, $0xFFFFF086  }
0x1c: {  	p1 =	slt.u32 s9, $0xF7A;
	s5 =	simm.s32 @!p2 $0x0  }
0x1d: {  	s5 =	simm.s32 @p1 $0x1;
	p0 =	seq.s32 s7, s2  }
0x1e: {  	s7 =	smul.u32 @!p0 $0xF7A, s2;
	p2 =	seq.s32 @!p0 s5, $0x0  }
0x1f: {  	s9 =	smul.u32 $0xF7A, s1;
	s8 =	simm.s32 @!p0 $0x1BF5;
	p2 =	por !p2, p0  }
0x20: {  	[sflag:s8] =	ssyncset.s32 @!p0 $0xFFFFF086;
	s6 =	sadd.s32 @!p0 s3, s7;
	s7 =	simm.s32 @!p0 $0x108  }
0x21: {  	s3 =	sadd.s32 s3, s9;
	s6 =	sadd.s32 @!p0 $0x88, s6;
	s7 =	simm.s32 @p2 $0x1082  }
0x22: {  	[simem:s7], [sflag:s8] =	dma.local @!p0 [hbm:s6], $0xF7A  }
0x23: {  	s9 =	sor.u32 $0xD0000000, s2;
	s6 =	simm.s32 $0x108;
	_ =	swait.ge @!p0 [sflag:s8], $0x0  }
0x24: {  	s3 =	sadd.s32 $0x88, s3;
	s6 =	simm.s32 @!p1 $0x1082;
	[sflag:s4] =	ssyncset.s32 $0xFFFFF086  }
0x25: {  	[simem:s6], [sflag:s4] =	dma.local [hbm:s3], $0xF7A  }
0x26: {  	[smem:$0x3F96] =	sst s1;
	(tag) =	ssettag s2;
	_ =	strace s9  }
0x27: {  	s1 =	sld [smem:$0x3FA6]  }
0x28: {  	s2 =	sld [smem:$0x3FA7]  }
0x29: {  	s4 =	sld [smem:$0x3FA9]  }
0x2a: {  	p0 =	seq.s32 s5, $0x0;
	s5 =	sld [smem:$0x3FAA]  }
0x2b: {  	s6 =	sld [smem:$0x3FAB]  }
0x2c: {  	s7 =	sld [smem:$0x3FAC]  }
0x2d: {  	s3 =	simm.s32 $0x108;
	s8 =	sld [smem:$0x3FAD]  }
0x2e: {  	s3 =	simm.s32 @!p0 $0x1082;
	s9 =	sld [smem:$0x3FAE]  }
0x2f: {  	lr =	sadd.s32 s0, s3;
	s0 =	sld [smem:$0x3FA5]  }
0x30: {  	s3 =	sld [smem:$0x3FA8]  }
0x31: {  	[smem:$0x3FB1] =	sst s10  }
0x32: {  	s10 =	sld [smem:$0x3FAF];
	_ =	sdelay $0x3  }
0x33: {  	p0 =	seq.s32 s10, $0x1;
	s10 =	sld [smem:$0x3FB1];
	_ =	sdelay $0x3  }
0x34: {  	[smem:$0x3FB1] =	sst s10  }
0x35: {  	s10 =	sld [smem:$0x3FB0];
	_ =	sdelay $0x3  }
0x36: {  	p1 =	seq.s32 s10, $0x1;
	s10 =	sld [smem:$0x3FB1];
	_ =	sdelay $0x3  }
0x37: {  	[smem:$0x3FB1] =	sst s10  }
0x38: {  	s10 =	sld [smem:$0x3FB2]  }
0x39: {  	_ = 	snop;
	(pc) =	sbr.ind lr, $3  }
0x3a: {  	_ = 	snop  }
0x3b: {  	_ = 	snop  }
0x3c: {  	p2 =	seq.s32 s10, $0x1;
	s10 =	sld [smem:$0x3FB1]  }
0x3d: {  	_ =	shalt  }
0x3e: {  	_ =	shalt  }
0x3f: {  	_ =	shalt  }
0x40: {  	_ =	shalt  }
0x41: {  	_ =	shalt  }
0x42: {  	_ =	shalt  }
0x43: {  	_ =	shalt  }
0x44: {  	_ =	shalt  }
0x45: {  	_ =	shalt  }
0x46: {  	_ =	shalt  }
0x47: {  	_ =	shalt  }
0x48: {  	_ =	shalt  }
0x49: {  	_ =	shalt  }
0x4a: {  	_ =	shalt  }
0x4b: {  	_ =	shalt  }
0x4c: {  	_ =	shalt  }
0x4d: {  	_ =	shalt  }
0x4e: {  	_ =	shalt  }
0x4f: {  	_ =	shalt  }
0x50: {  	_ =	shalt  }
0x51: {  	_ =	shalt  }
0x52: {  	_ =	shalt  }
0x53: {  	_ =	shalt  }
0x54: {  	_ =	shalt  }
0x55: {  	_ =	shalt  }
0x56: {  	_ =	shalt  }
0x57: {  	_ =	shalt  }
0x58: {  	_ =	shalt  }
0x59: {  	_ =	shalt  }
0x5a: {  	_ =	shalt  }
0x5b: {  	_ =	shalt  }
0x5c: {  	_ =	shalt  }
0x5d: {  	_ =	shalt  }
0x5e: {  	_ =	shalt  }
0x5f: {  	_ =	shalt  }
0x60: {  	_ =	shalt  }
0x61: {  	_ =	shalt  }
0x62: {  	_ =	shalt  }
0x63: {  	_ =	shalt  }
0x64: {  	_ =	shalt  }
0x65: {  	_ =	shalt  }
0x66: {  	_ =	shalt  }
0x67: {  	_ =	shalt  }
0x68: {  	_ =	shalt  }
0x69: {  	_ =	shalt  }
0x6a: {  	_ =	shalt  }
0x6b: {  	_ =	shalt  }
0x6c: {  	_ =	shalt  }
0x6d: {  	_ =	shalt  }
0x6e: {  	_ =	shalt  }
0x6f: {  	_ =	shalt  }
0x70: {  	_ =	shalt  }
0x71: {  	_ =	shalt  }
0x72: {  	_ =	shalt  }
0x73: {  	_ =	shalt  }
0x74: {  	_ =	shalt  }
0x75: {  	_ =	shalt  }
0x76: {  	_ =	shalt  }
0x77: {  	_ =	shalt  }
0x78: {  	_ =	shalt  }
0x79: {  	_ =	shalt  }
0x7a: {  	_ =	shalt  }
0x7b: {  	_ =	shalt  }
0x7c: {  	_ =	shalt  }
0x7d: {  	_ =	shalt  }
0x7e: {  	_ =	shalt  }
0x7f: {  	_ =	shalt  }
0x80: {  	_ =	shalt  }
0x81: {  	_ =	shalt  }
0x82: {  	_ =	shalt  }
0x83: {  	_ =	shalt  }
0x84: {  	_ =	shalt  }
0x85: {  	_ =	shalt  }
0x86: {  	_ =	shalt  }
0x87: {  	_ =	shalt  }
.Lfunc_end0:
.L_simem_size_0:
called_computation_lowered:
.L_overlay_start_0:
0x88: {  	s2 =	sld [smem:$0x3FD9]  }
0x89: {  	s3 =	sld [smem:$0x3FFE];
	_ =	sdelay $0x1  }
0x8a: {  	s1 =	srdreg.scid  }
0x8b: {  	s0 =	sand.u32 $0x1, s1  }
0x8c: {  	s16 =	sshll.u32 s0, $0xA;
	s2 =	sadd.s32 s3, s2  }
0x8d: {  	s2 =	sadd.s32 s2, s16  }
0x8e: {  	[smem:$0x3FBD] =	sst s2  }
0x8f: {  	_ = 	snop  }
0x90: {  	(tm) =	ssettm $0x1  }
0x91: {  	s17 =	sld [smem:$0x3FFB];
	_ =	sdelay $0x3  }
0x92: {  	_ =	strace s17  }
0x93: {  	s2 =	sld [smem:$0x3FFC];
	_ =	sdelay $0x3  }
0x94: {  	_ =	strace s2  }
0x95: {  	s2 =	sld [smem:$0x3FFD];
	_ =	sdelay $0x3  }
0x96: {  	_ =	strace s2  }
0x97: {  	_ =	strace $0x8FFFFFFF  }
0x98: {  	s18 =	sld [smem:$0x3FDB];
	_ =	sdelay $0x1  }
0x99: {  	s19 =	simm.s32 $_scs_section_size  }
0x9a: {  	s4 =	simm.s32 $_size__tile_overlayer_lowered;
	s5 =	simm.s32 $_tile_overlayer_lowered  }
0x9b: {  	s22 =	simm.s32 $0x1BFF;
	s21 =	sshll.u32 s5, $0x1;
	s2 =	sadd.s32 s19, s18  }
0x9c: {  	s6 =	simm.s32 $0x0;
	s20 =	sshll.u32 s4, $0x1;
	s4 =	sadd.s32 s21, s2  }
0x9d: {  	[timem:s6], [sflag:s22] =	dma.local [hbm:s4], s20  }
0x9e: {  	_ =	swait.ge [sflag:s22], s20  }
0x9f: {  	s3 =	ssub.s32 $0x0, s20;
	[sflag:s22] =	ssyncset.done $0x0  }
0xa0: {  	[sflag:s22] =	ssyncadd.s32 s3;
	_ =	sdelay $0x1  }
0xa1: {  	s23 =	simm.s32 $0x1B8B  }
0xa2: {  	_ =	swait.ge [sflag:s23], $0x1  }
0xa3: {  	[sflag:s23] =	ssyncset.done $0x0  }
0xa4: {  	s25 =	simm.s32 $0x1B8E;
	s24 =	sld [smem:$0x3FFE];
	[sflag:s23] =	ssyncadd.s32 $0xFFFFFFFF  }
0xa5: {  	s26 =	simm.s32 $execute0_lowered;
	[smem:$0x3FD2] =	sst s25  }
0xa6: {  	s4 =	sshll.u32 s26, $0x1;
	_ =	strace $0x80000046;
	[dreg:$0x1] =	wrdreg $0xFFFFFFFF  }
0xa7: {  	s28 =	simm.s32 $_size_execute0_lowered;
	s2 =	sadd.s32 s2, s4;
	[dreg:$0x0] =	wrdreg $0x0  }
0xa8: {  	s4 =	sshll.u32 s28, $0x1;
	[dreg:$0x2] =	wrdreg s2  }
0xa9: {  	[dreg:$0x3] =	wrdreg s4  }
0xaa: {  	[dreg:$0x4] =	wrdreg $0xC0  }
0xab: {  	_ =	task [dreg:s6], $0x5FFFF  }
0xac: {  	[dreg:$0x1] =	wrdreg $0xFFFFFFFF  }
0xad: {  	[dreg:$0x0] =	wrdreg $0x60  }
0xae: {  	[dreg:$0x2] =	wrdreg s24  }
0xaf: {  	[dreg:$0x3] =	wrdreg $0x50000  }
0xb0: {  	[dreg:$0x4] =	wrdreg $0x9  }
0xb1: {  	_ =	task.clear_ibuf [dreg:s6], $0x5FFFF;
	_ =	strace $0x90000046  }
0xb2: {  	s29 =	simm.s32 $0x9;
	_ =	strace $0x80000048  }
0xb3: {  	_ =	swait.ge [sflag:s29], $0x1  }
0xb4: {  	[sflag:s29] =	ssyncadd.s32 $0xFFFFFFFF  }
0xb5: {  	_ =	strace $0x90000048  }
0xb6: {  	_ =	sfence  }
0xb7: {  	s30 =	sld [smem:$0x0];
	_ =	sdelay $0x2  }
0xb8: {  	s31 =	sshll.u32 s1, $0xD;
	s1 =	sshrl.u32 s1, $0x2  }
0xb9: {  	s3 =	sand.u32 $0x4000, s31;
	s1 =	sadd.s32 s1, s30  }
0xba: {  	s0 =	sor.u32 s3, s0;
	s1 =	sshll.u32 s1, $0x11  }
0xbb: {  	s0 =	sor.u32 s1, s0  }
0xbc: {  	s0 =	sadd.s32 $0x8F2B, s0  }
0xbd: {  	[sflag:s0] =	ssyncadd.remote.s32 $0x1  }
0xbe: {  	_ =	sfence.sel $0xFFFF  }
0xbf: {  	[dreg:$0x0] =	wrdreg $0xFFFFFFFF;
	(pc) =	sbr.abs _section_cstart, $3  }
0xc0: {  	[dreg:$0x1] =	wrdreg $0xFFFFFFFF  }
0xc1: {  	_ =	task.clear_ibuf [dreg:s6], $0x2FFFF;
	_ =	strace $0x9FFFFFFF  }
0xc2: {  	(tm) =	ssettm $0x7FFFFFFF  }
0xc3: {  	_ =	shalt  }
tec
execute0_lowered:
.L_overlay_start_1:
0x0: {  	(tag) =	ssettag $0x1  }
0x1: {  	s8 =	rddreg [dreg:$0x0]  }
0x2: {  	s1 =	rddreg [dreg:$0x1]  }
0x3: {  	s2 =	srdreg.scid;
	s0 =	rddreg [dreg:$0x2]  }
0x4: {  	s3 =	simm.s32 $0x0;
	s15 =	simm.s32 $0x80;
	s16 =	simm.s32 $0x1000  }
0x5: {  	s17 =	simm.s32 $0x1;
	s9 =	sand.u32 $0x1, s2;
	s2 =	stileid.u32  }
0x6: {  	[smem:$0x7FF] =	sst s3;
	s4 =	sadd.s32 $0x2200, s8;
	s7 =	smul.u32 $0x140000, s9  }
0x7: {  	s5 =	sadd.s32 $0x29C00, s8;
	s6 =	sadd.s32 $0x3DC00, s8;
	s10 =	smul.u32 $0x14000, s2  }
0x8: {  	_ =	strace $0x80000047;
	s26 =	ssub.s32 $0x2, s9;
	s13 =	smul.u32 $0x50000, s2  }
0x9: {  	s28 =	sshll.u32 s9, $0x4;
	s30 =	sshll.u32 s2, $0x6;
	s12 =	sshrl.u32 s26, $0x1  }
0xa: {  	s31 =	sor.u32 s2, s28;
	s7 =	sadd.s32 s10, s7;
	s12 =	ssub.s32 s26, s12  }
0xb: {  	s29 =	sshrl.u32 s13, $0x2;
	s9 =	smul.u32 $0x5000, s31;
	s11 =	sshrl.u32 s7, $0x3  }
0xc: {  	s13 =	simm.s32 $0x2;
	s7 =	sadd.s32 $0x51C00, s8;
	s11 =	sadd.s32 s11, s8  }
0xd: {  	s14 =	sadd.s32 s29, s1;
	s8 =	sor.u32 $0x1C02, s30;
	s10 =	sadd.s32 $0x54400, s11  }
0xe: {  	s11 =	smax.u32 s12, $0x1;
	s12 =	sshrl.u32 s14, $0x3;
	s14 =	simm.s32 $0x800  }
.LBB2_1:
0xf: {  	[spmem:s12], [sflag:s8] =	dma.local [hbm:s7], $0x2800  }
0x10: {  	_ =	swait.ge [sflag:s13], $0x2800  }
0x11: {  	[sflag:s13] =	ssyncset.done $0x0  }
0x12: {  	[sflag:s13] =	ssyncadd.s32 $0xFFFFD800  }
0x13: {  	s18 =	simm.s32 $0x0;
	[bflag:$0x0] =	sbarrier.arrive $0xFFFF  }
.LBB2_2:
0x14: {  	s19 =	sshll.u32 s18, $0xB  }
0x15: {  	s19 =	sadd.s32 s9, s19  }
0x16: {  	s19 =	sshrl.u32 s19, $0x3  }
0x17: {  	s21 =	simm.s32 $0x0;
	s20 =	sadd.s32 s5, s19  }
0x18: {  	[tilespmem:s21], [sflag:$0x2] =	stream.linear.gather [hbm4b:s20+s21], $0x800, $0x38;
	[tilespmem:$0x19000] =	vst v63  }
0x19: {  	_ =	swait.ge [sflag:s13], $0x800  }
0x1a: {  	[sflag:s13] =	ssyncset.done $0x0  }
0x1b: {  	s19 =	sadd.s32 s6, s19;
	[sflag:s13] =	ssyncadd.s32 $0xFFFFF800  }
0x1c: {  	[tilespmem:s14], [sflag:$0x2] =	stream.linear.gather [hbm4b:s19+s21], $0x800, $0x38;
	[tilespmem:$0x19000] =	vst v63  }
0x1d: {  	_ =	swait.ge [sflag:s13], $0x800  }
0x1e: {  	[sflag:s13] =	ssyncset.done $0x0  }
0x1f: {  	s30 =	simm.s32 $0x0;
	[sflag:s13] =	ssyncadd.s32 $0xFFFFF800  }
0x20: {  	[tilespmem:s16], [sflag:$0x1] =	stream.indirect.gather [hbm4b:s4+s15], $0x80, s30, s15, $0xb8;
	[tilespmem:$0x19000] =	vst v63  }
0x21: {  	_ =	swait.ge [sflag:s17], $0x4000  }
0x22: {  	[sflag:s17] =	ssyncset.done $0x0  }
0x23: {  	s31 =	simm.s32 $0x800;
	[sflag:s17] =	ssyncadd.s32 $0xFFFFC000  }
0x24: {  	[spmem:s1] =	stream.indirect.scatter.add.f32 [tilespmem:s16], [sflag:$0x2], $0x80, s31, s15, $0xb8;
	[tilespmem:$0x19000] =	vst v63  }
0x25: {  	_ =	swait.ge [sflag:s13], $0x4000  }
0x26: {  	s20 =	simm.s32 $0x400;
	s19 =	simm.s32 $0x200;
	[sflag:s13] =	ssyncset.done $0x0  }
.LBB2_3:
0x27: {  	s21 =	sshra.s32 s19, $0x2  }
0x28: {  	[sflag:s13] =	ssyncadd.s32 $0xFFFFC000;
	s19 =	smov.u32 s20;
	s22 =	sadd.s32 $0x200, s20  }
0x29: {  	[tilespmem:s16], [sflag:$0x1] =	stream.indirect.gather [hbm4b:s4+s15], $0x80, s21, s15, $0xb8;
	[tilespmem:$0x19000] =	vst v63  }
0x2a: {  	p0 =	sne.s32 s20, $0x1E00;
	_ =	swait.ge [sflag:s17], $0x4000  }
.Ltmp0:
0x2b: {  	[sflag:s17] =	ssyncset.done $0x0;
	(pc) =	sbr.rel @p0 .LBB2_3-.Ltmp0, $4  }
0x2c: {  	s20 =	sadd.s32 $0x800, s21;
	[sflag:s17] =	ssyncadd.s32 $0xFFFFC000  }
0x2d: {  	[spmem:s1] =	stream.indirect.scatter.add.f32 [tilespmem:s16], [sflag:$0x2], $0x80, s20, s15, $0xb8;
	[tilespmem:$0x19000] =	vst v63  }
0x2e: {  	_ =	swait.ge [sflag:s13], $0x4000  }
0x2f: {  	s20 =	smov.u32 s22;
	[sflag:s13] =	ssyncset.done $0x0  }
0x30: {  	s19 =	sshra.s32 s19, $0x2;
	[sflag:s13] =	ssyncadd.s32 $0xFFFFC000  }
0x31: {  	[tilespmem:s16], [sflag:$0x1] =	stream.indirect.gather [hbm4b:s4+s15], $0x80, s19, s15, $0xb8;
	[tilespmem:$0x19000] =	vst v63  }
0x32: {  	s18 =	sadd.s32 $0x1, s18;
	_ =	swait.ge [sflag:s17], $0x4000  }
0x33: {  	p0 =	sne.s32 s18, $0xA;
	[sflag:s17] =	ssyncset.done $0x0  }
.Ltmp1:
0x34: {  	s19 =	sadd.s32 $0x800, s19;
	[sflag:s17] =	ssyncadd.s32 $0xFFFFC000;
	(pc) =	sbr.rel @p0 .LBB2_2-.Ltmp1, $4  }
0x35: {  	[spmem:s1] =	stream.indirect.scatter.add.f32 [tilespmem:s16], [sflag:$0x2], $0x80, s19, s15, $0xb8;
	[tilespmem:$0x19000] =	vst v63  }
0x36: {  	_ =	swait.ge [sflag:s13], $0x4000  }
0x37: {  	[sflag:s13] =	ssyncset.done $0x0  }
0x38: {  	[sflag:s13] =	ssyncadd.s32 $0xFFFFC000  }
0x39: {  	s3 =	sadd.s32 $0x1, s3  }
0x3a: {  	p0 =	sne.s32 s3, s11  }
.Ltmp2:
0x3b: {  	[bflag:$0x0] =	sbarrier.arrive $0xFFFF;
	(pc) =	sbr.rel @p0 .LBB2_1-.Ltmp2, $4  }
0x3c: {  	[hbm:s10], [sflag:s8] =	dma.local [spmem:s12], $0x2800  }
0x3d: {  	_ =	swait.ge [sflag:s13], $0x2800  }
0x3e: {  	[sflag:s13] =	ssyncset.done $0x0  }
0x3f: {  	[sflag:s13] =	ssyncadd.s32 $0xFFFFD800  }
0x40: {  	_ =	sfence.sel $0x180000  }
0x41: {  	[bflag:$0x0] =	sbarrier.arrive $0xFFFF  }
0x42: {  	p0 =	sne.s32 s2, $0x0;
	_ =	strace $0x90000047  }
0x43: {  	s0 =	sadd.s32 @!p0 $0x100000, s0;
	[bflag:$0x2] =	sbarrier.arrive $0xFFFF  }
0x44: {  	[sflag:s0] =	ssyncadd.tile.s32 @!p0 $0x1;
	_ =	shalt  }
.Lfunc_end2:
_tile_overlayer_lowered:
.L_overlay_start_2:
0x45: {  	(tag) =	ssettag $0x2  }
0x46: {  	s0 =	rddreg [dreg:$0x0];
	s2 =	stileid.u32  }
0x47: {  	s1 =	rddreg [dreg:$0x1];
	p0 =	sne.s32 s2, $0x0  }
0x48: {  	s3 =	rddreg [dreg:$0x2];
	[bflag:$0x3] =	sbarrier.arrive $0xFFFF;
	s2 =	simm.s32 @!p0 $0x1C02  }
0x49: {  	[timem:s3], [sflag:s2] =	dma.local @!p0 [hbm:s0], s1  }
0x4a: {  	s0 =	simm.s32 @!p0 $0x2  }
0x4b: {  	_ =	swait.ge @!p0 [sflag:s0], s1  }
0x4c: {  	s1 =	ssub.s32 @!p0 $0x0, s1;
	[sflag:s0] =	ssyncset.done @!p0 $0x0  }
0x4d: {  	[sflag:s0] =	ssyncadd.s32 @!p0 s1  }
0x4e: {  	[bflag:$0x3] =	sbarrier.arrive $0xFFFF  }
0x4f: {  	_ =	shalt  }

</sc_bundles>
